<compile_context>
chip_gen: v7x
topology: tpu7x:2x2x1
jax: 0.10.2.dev20260603
libtpu: 0.0.44.dev20260713+nightly
codegen_flags: <defaults>
</compile_context>

<pallas_src>
import functools

import jax
import jax.numpy as jnp
from jax.experimental import pallas as pl
from jax.experimental.pallas import tpu as pltpu
from jax.experimental.pallas import tpu_sc as plsc

_N_E = 8192
_D = 256
_BR = 2048
_BC = 2048


def _dist_argmin_body(z_ref, zsq_ref, e_ref, idx_ref, minv_ref, mini_ref):
    c = pl.program_id(1)
    eb = e_ref[...]
    esq = jnp.sum(eb * eb, axis=1)
    zsq = zsq_ref[...][:, 0]
    m2 = jax.lax.dot_general(
        z_ref[...] * -2.0, eb, (((1,), (1,)), ((), ())),
        preferred_element_type=jnp.float32)
    lanes = 128
    zsqc = zsq[:, None]
    ii0 = jax.lax.broadcasted_iota(jnp.int32, (_BR, lanes), 1)
    av = (zsqc + esq[None, :lanes]) + m2[:, :lanes]
    ai = ii0
    for k in range(1, _BC // lanes):
        nd = (zsqc + esq[None, k * lanes:(k + 1) * lanes]
              ) + m2[:, k * lanes:(k + 1) * lanes]
        lt = nd < av
        av = jnp.where(lt, nd, av)
        ai = jnp.where(lt, ii0 + (k * lanes), ai)
    bmin = jnp.min(av, axis=1)
    barg = jnp.min(jnp.where(av == bmin[:, None], ai, jnp.int32(2 ** 30)),
                   axis=1) + c * _BC

    @pl.when(c == 0)
    def _():
        minv_ref[...] = bmin.astype(jnp.bfloat16).astype(jnp.float32)[:, None]
        mini_ref[...] = barg[:, None]

    @pl.when(c > 0)
    def _():
        prev = minv_ref[...][:, 0]
        pidx = mini_ref[...][:, 0]
        upd = bmin < prev
        newv = jnp.where(upd, bmin, prev)
        minv_ref[...] = newv.astype(jnp.bfloat16).astype(jnp.float32)[:, None]
        mini_ref[...] = jnp.where(upd, barg, pidx)[:, None]

    @pl.when(c == (_N_E // _BC) - 1)
    def _():
        idx_ref[...] = mini_ref[...][:, 0][None, None, :]


def _argmin_indices(z_flat, zsq, embedding):
    n = z_flat.shape[0]
    grid = (n // _BR, _N_E // _BC)
    out = pl.pallas_call(
        _dist_argmin_body,
        grid=grid,
        in_specs=[
            pl.BlockSpec((_BR, _D), lambda r, c: (r, 0)),
            pl.BlockSpec((_BR, 1), lambda r, c: (r, 0)),
            pl.BlockSpec((_BC, _D), lambda r, c: (c, 0)),
        ],
        out_specs=pl.BlockSpec((1, 1, _BR), lambda r, c: (r, 0, 0)),
        out_shape=jax.ShapeDtypeStruct((n // _BR, 1, _BR), jnp.int32),
        scratch_shapes=[
            pltpu.VMEM((_BR, 1), jnp.float32),
            pltpu.VMEM((_BR, 1), jnp.int32),
        ],
    )(z_flat, zsq, embedding)
    return out.reshape(n)


def _gather_rows(embedding, indices):
    n = indices.shape[0]
    window = 128
    mesh = plsc.VectorSubcoreMesh(core_axis_name="core",
                                  subcore_axis_name="subcore")
    idx2d = indices.reshape(1, n)

    @functools.partial(
        pl.kernel,
        out_type=jax.ShapeDtypeStruct((n, _D), embedding.dtype),
        mesh=mesh,
    )
    def _sc_gather(e_hbm, i_hbm, o_hbm):
        def body(i_vmem, o_vmem):
            pltpu.sync_copy(e_hbm.at[i_vmem.at[0]], o_vmem)

        pltpu.emit_pipeline(
            body,
            grid=(n // window,),
            in_specs=[pl.BlockSpec((1, window), index_map=lambda i: (0, i))],
            out_specs=[pl.BlockSpec((window, _D), index_map=lambda i: (i, 0))],
            core_axis_name=("core", "subcore"),
            dimension_semantics=(pltpu.PARALLEL,),
        )(i_hbm, o_hbm)

    return _sc_gather(embedding, idx2d)


def _finalize_body(z_ref, q_ref, out_ref, lsum_ref):
    z = z_ref[...]
    q = q_ref[...]
    diff = q - z
    out_ref[...] = z + diff
    lsum_ref[0, 0] = jnp.sum(diff * diff)


def _finalize(z_flat, zq_flat):
    n = z_flat.shape[0]
    out, lsum = pl.pallas_call(
        _finalize_body,
        in_specs=[
            pl.BlockSpec((n, _D), lambda: (0, 0)),
            pl.BlockSpec((n, _D), lambda: (0, 0)),
        ],
        out_specs=[
            pl.BlockSpec((n, _D), lambda: (0, 0)),
            pl.BlockSpec(memory_space=pltpu.SMEM),
        ],
        out_shape=[
            jax.ShapeDtypeStruct((n, _D), jnp.float32),
            jax.ShapeDtypeStruct((1, 1), jnp.float32),
        ],
    )(z_flat, zq_flat)
    count = jnp.float32(n * _D)
    loss = lsum[0, 0] / count + lsum[0, 0] / count
    return out, loss


@jax.jit
def kernel(z, embedding):
    z_flat = jnp.reshape(z, (-1, _D))
    zsq = jnp.sum(z_flat ** 2, axis=1, keepdims=True)
    indices = _argmin_indices(z_flat, zsq, embedding)
    zq_flat = _gather_rows(embedding, indices)
    out_flat, loss = _finalize(z_flat, zq_flat)
    return jnp.reshape(out_flat, z.shape), loss, indices

# --- scband reference (transcript-rebuilt; emitter-appended) ---
"""Pipeline reference for scband-vector-quantizer-8065948582428 (READ-ONLY COPY).

The authoritative reference and input builder live on the scoring server;
editing this copy changes nothing except your own understanding.
"""

import jax, jax.numpy as jnp
import numpy as np

N_E = 8192
E_DIM = 256
BETA = 0.25


def setup_inputs(seed: int = 0) -> dict:
    key = jax.random.key(seed)
    k_z, k_emb = jax.random.split(key)
    z = jax.random.normal(k_z, (8, 1024, E_DIM), dtype=jnp.float32)
    scale = 1.0 / N_E
    embedding = jax.random.uniform(k_emb, (N_E, E_DIM), minval=-scale, maxval=scale, dtype=jnp.float32)
    return {"z": z, "embedding": embedding}


def reference(z, embedding):
    z_flatten = jnp.reshape(z, (-1, E_DIM))
    d = (jnp.sum(z_flatten ** 2, axis=1, keepdims=True)
         + jnp.sum(embedding ** 2, axis=1)
         - 2 * jnp.einsum('bd, dn -> bn', z_flatten, jnp.transpose(embedding)))
    min_encoding_indices = jnp.argmin(d, axis=1)
    z_q = jnp.take(embedding, min_encoding_indices, axis=0)
    z_q = jnp.reshape(z_q, z.shape)
    loss = (jnp.mean((jax.lax.stop_gradient(z_q) - z) ** 2)
            + jnp.mean((z_q - jax.lax.stop_gradient(z)) ** 2))
    z_q = z + jax.lax.stop_gradient(z_q - z)
    return (z_q, loss, min_encoding_indices)

if __name__ == "__main__":
    import jax
    _d = setup_inputs()
    print(jax.jit(kernel)(*tuple(_d.values())))

</pallas_src>

<mosaic_0001>
#map = affine_map<(d0, d1) -> (0, 0)>
module attributes {stable_mosaic.version = 14 : i64} {
  func.func @_sc_gather(%arg0: i32, %arg1: i32, %arg2: memref<8192x256xf32, #tpu.memory_space<hbm>>, %arg3: memref<1x8192xi32, #tpu.memory_space<hbm>>, %arg4: memref<8192x256xf32, #tpu.memory_space<hbm>>) attributes {dimension_semantics = [#tpu.dimension_semantics<core_parallel>, #tpu.dimension_semantics<subcore_parallel>], iteration_bounds = array<i64: 2, 16>, scalar_prefetch = 0 : i64, scratch_operands = 0 : i64, tpu.core_type = #tpu.core_type<sc_vector_subcore>, window_params = [{transform_indices = #map}, {transform_indices = #map}, {transform_indices = #map}]} {
    %mul3A = arith.constant 1 : i32
    %mul3A_0 = arith.muli %arg1, %mul3A : i32
    %add3A = arith.constant 0 : i32
    %add3A_1 = arith.addi %add3A, %mul3A_0 : i32
    %mul3A_2 = arith.constant 16 : i32
    %mul3A_3 = arith.muli %arg0, %mul3A_2 : i32
    %add3A_4 = arith.addi %add3A_1, %mul3A_3 : i32
    %mul3A_5 = arith.constant 2 : i32
    %mul3A_6 = arith.muli %add3A_4, %mul3A_5 : i32
    "tpu.region"() ({
      %run_scoped3A = memref.alloca() : memref<2x1x128xi32, #tpu.memory_space<vmem>>
      %run_scoped3A_7 = tpu.sem_alloc : memref<2x!tpu.dma_semaphore, #tpu.memory_space<semaphore_mem>>
      %run_scoped3A_8 = memref.alloca() : memref<2x128x256xf32, #tpu.memory_space<vmem>>
      %run_scoped3A_9 = tpu.sem_alloc : memref<2x!tpu.dma_semaphore, #tpu.memory_space<semaphore_mem>>
      %add3A_10 = arith.constant 0 : i32
      %add3A_11 = arith.addi %add3A_10, %mul3A_6 : i32
      %select_n3A = arith.constant true
      %select_n3A_12 = arith.constant 0 : i32
      %select_n3A_13 = arith.constant -1 : i32
      %select_n3A_14 = arith.select %select_n3A, %select_n3A_13, %select_n3A_12 : i32
      %eq3A = arith.constant -1 : i32
      %eq3A_15 = arith.cmpi eq, %select_n3A_14, %eq3A : i32
      %select_n3A_16 = arith.constant 1 : i32
      %select_n3A_17 = arith.select %eq3A_15, %select_n3A_16, %select_n3A_14 : i32
      %add3A_18 = arith.addi %select_n3A_17, %mul3A_6 : i32
      %select_n3A_19 = arith.constant true
      %select_n3A_20 = arith.constant 0 : i32
      %select_n3A_21 = arith.constant 1 : i32
      %select_n3A_22 = arith.select %select_n3A_19, %select_n3A_21, %select_n3A_20 : i32
      %eq3A_23 = arith.constant 2 : i32
      %eq3A_24 = arith.cmpi eq, %select_n3A_22, %eq3A_23 : i32
      %select_n3A_25 = arith.constant 0 : i32
      %select_n3A_26 = arith.select %eq3A_24, %select_n3A_25, %select_n3A_22 : i32
      %add3A_27 = arith.addi %select_n3A_26, %mul3A_6 : i32
      %add3A_28 = arith.constant 1 : i32
      %add3A_29 = arith.addi %select_n3A_26, %add3A_28 : i32
      %select_n3A_30 = arith.constant true
      %select_n3A_31 = arith.select %select_n3A_30, %add3A_29, %select_n3A_26 : i32
      %eq3A_32 = arith.constant 2 : i32
      %eq3A_33 = arith.cmpi eq, %select_n3A_31, %eq3A_32 : i32
      %select_n3A_34 = arith.constant 0 : i32
      %select_n3A_35 = arith.select %eq3A_33, %select_n3A_34, %select_n3A_31 : i32
      %add3A_36 = arith.addi %select_n3A_35, %mul3A_6 : i32
      "tpu.trace_start"() <{level = 10 : i32, message = "ep_initialize_0"}> : () -> ()
      %rem3A = arith.constant 0 : i32
      %rem3A_37 = arith.constant 2 : i32
      %rem3A_38 = arith.remui %rem3A, %rem3A_37 : i32
      %mul3A_39 = arith.constant 128 : i32
      %mul3A_40 = arith.muli %mul3A_39, %add3A_11 : i32
      %dma_start3A = arith.constant 0 : i32
      %dma_start3A_41 = arith.constant 0 : i32
      %dma_start3A_42 = tpu.memref_slice %run_scoped3A[%rem3A_38, %dma_start3A, %dma_start3A_41] : memref<2x1x128xi32, #tpu.memory_space<vmem>> -> memref<1x1x128xi32, #tpu.memory_space<vmem>>
      %dma_start3A_43 = tpu.memref_squeeze %dma_start3A_42 : memref<1x1x128xi32, #tpu.memory_space<vmem>> -> memref<1x128xi32, #tpu.memory_space<vmem>>
      %dma_start3A_44 = arith.constant 0 : i32
      %dma_start3A_45 = tpu.memref_slice %arg3[%dma_start3A_44, %mul3A_40] : memref<1x8192xi32, #tpu.memory_space<hbm>> -> memref<1x128xi32, #tpu.memory_space<hbm>>
      %dma_start3A_46 = tpu.memref_slice %run_scoped3A_7[%rem3A_38] : memref<2x!tpu.dma_semaphore, #tpu.memory_space<semaphore_mem>> -> memref<1x!tpu.dma_semaphore, #tpu.memory_space<semaphore_mem>>
      %dma_start3A_47 = tpu.memref_squeeze %dma_start3A_46 : memref<1x!tpu.dma_semaphore, #tpu.memory_space<semaphore_mem>> -> memref<!tpu.dma_semaphore, #tpu.memory_space<semaphore_mem>>
      %dma_start3A_48 = arith.constant 0 : i32
      %dma_start3A_49 = arith.constant 0 : i32
      %dma_start3A_50 = tpu.memref_slice %run_scoped3A[%rem3A_38, %dma_start3A_48, %dma_start3A_49] : memref<2x1x128xi32, #tpu.memory_space<vmem>> -> memref<1x1x128xi32, #tpu.memory_space<vmem>>
      %dma_start3A_51 = tpu.memref_squeeze %dma_start3A_50 : memref<1x1x128xi32, #tpu.memory_space<vmem>> -> memref<1x128xi32, #tpu.memory_space<vmem>>
      %dma_start3A_52 = arith.constant 0 : i32
      %dma_start3A_53 = tpu.memref_slice %arg3[%dma_start3A_52, %mul3A_40] : memref<1x8192xi32, #tpu.memory_space<hbm>> -> memref<1x128xi32, #tpu.memory_space<hbm>>
      tpu.enqueue_dma source(%dma_start3A_53 : memref<1x128xi32, #tpu.memory_space<hbm>>) target(%dma_start3A_51 : memref<1x128xi32, #tpu.memory_space<vmem>>) target_semaphore(%dma_start3A_47 : memref<!tpu.dma_semaphore, #tpu.memory_space<semaphore_mem>>)
      %add3A_54 = arith.constant 0 : i32
      %add3A_55 = arith.constant 1 : i32
      %add3A_56 = arith.addi %add3A_54, %add3A_55 : i32
      %select_n3A_57 = arith.constant true
      %select_n3A_58 = arith.constant 0 : i32
      %select_n3A_59 = arith.select %select_n3A_57, %add3A_56, %select_n3A_58 : i32
      "tpu.trace_stop"() : () -> ()
      %scan3A = arith.constant 0 : i32
      %scan3A_60 = arith.constant 0 : i32
      %scan3A_61 = arith.constant 0 : i32
      %scan3A_62 = arith.constant 0 : i32
      %scan3A_63 = arith.constant 0 : i32
      %scan3A_64 = arith.constant 2 : i32
      %scan3A_65 = arith.addi %scan3A_63, %scan3A_64 : i32
      %scan3A_66 = arith.constant 1 : i32
      %scan3A_67:5 = scf.for %scan3A_121 = %scan3A_63 to %scan3A_65 step %scan3A_66 iter_args(%scan3A_122 = %select_n3A_59, %scan3A_123 = %scan3A, %scan3A_124 = %scan3A_60, %scan3A_125 = %scan3A_61, %scan3A_126 = %scan3A_62) -> (i32, i32, i32, i32, i32)  : i32 {
        %eq3A_127 = arith.constant 0 : i32
        %eq3A_128 = arith.cmpi eq, %scan3A_121, %eq3A_127 : i32
        %eq3A_129 = arith.constant 1 : i32
        %eq3A_130 = arith.cmpi eq, %scan3A_121, %eq3A_129 : i32
        %add3A_131 = arith.addi %scan3A_126, %mul3A_6 : i32
        %sub3A_132 = arith.constant 1 : i32
        %sub3A_133 = arith.subi %scan3A_126, %sub3A_132 : i32
        %select_n3A_134 = arith.constant true
        %select_n3A_135 = arith.select %select_n3A_134, %sub3A_133, %scan3A_126 : i32
        %eq3A_136 = arith.constant -1 : i32
        %eq3A_137 = arith.cmpi eq, %select_n3A_135, %eq3A_136 : i32
        %select_n3A_138 = arith.constant 1 : i32
        %select_n3A_139 = arith.select %eq3A_137, %select_n3A_138, %select_n3A_135 : i32
        %add3A_140 = arith.addi %select_n3A_139, %mul3A_6 : i32
        %add3A_141 = arith.constant 1 : i32
        %add3A_142 = arith.addi %scan3A_126, %add3A_141 : i32
        %select_n3A_143 = arith.constant true
        %select_n3A_144 = arith.select %select_n3A_143, %add3A_142, %scan3A_126 : i32
        %eq3A_145 = arith.constant 2 : i32
        %eq3A_146 = arith.cmpi eq, %select_n3A_144, %eq3A_145 : i32
        %select_n3A_147 = arith.constant 0 : i32
        %select_n3A_148 = arith.select %eq3A_146, %select_n3A_147, %select_n3A_144 : i32
        %add3A_149 = arith.addi %select_n3A_148, %mul3A_6 : i32
        %add3A_150 = arith.constant 1 : i32
        %add3A_151 = arith.addi %select_n3A_148, %add3A_150 : i32
        %select_n3A_152 = arith.constant true
        %select_n3A_153 = arith.select %select_n3A_152, %add3A_151, %select_n3A_148 : i32
        %eq3A_154 = arith.constant 2 : i32
        %eq3A_155 = arith.cmpi eq, %select_n3A_153, %eq3A_154 : i32
        %select_n3A_156 = arith.constant 0 : i32
        %select_n3A_157 = arith.select %eq3A_155, %select_n3A_156, %select_n3A_153 : i32
        %add3A_158 = arith.addi %select_n3A_157, %mul3A_6 : i32
        %ne3A = arith.cmpi ne, %add3A_131, %add3A_149 : i32
        %or3A = arith.constant false
        %or3A_159 = arith.ori %or3A, %ne3A : i1
        %ge3A = arith.constant 1 : i32
        %ge3A_160 = arith.cmpi sge, %scan3A_121, %ge3A : i32
        %not3A = arith.constant true
        %not3A_161 = arith.xori %ge3A_160, %not3A : i1
        %and3A = arith.andi %or3A_159, %not3A_161 : i1
        %convert_element_type3A = arith.extui %and3A : i1 to i32
        %cond3A = arith.constant 0 : i32
        %cond3A_162 = arith.cmpi ne, %convert_element_type3A, %cond3A : i32
        scf.if %cond3A_162 {
          "tpu.trace_start"() <{level = 10 : i32, message = "ep_copy_in"}> : () -> ()
          %rem3A_264 = arith.constant 2 : i32
          %rem3A_265 = arith.remui %scan3A_122, %rem3A_264 : i32
          %mul3A_266 = arith.constant 128 : i32
          %mul3A_267 = arith.muli %mul3A_266, %add3A_149 : i32
          %dma_start3A_268 = arith.constant 0 : i32
          %dma_start3A_269 = arith.constant 0 : i32
          %dma_start3A_270 = tpu.memref_slice %run_scoped3A[%rem3A_265, %dma_start3A_268, %dma_start3A_269] : memref<2x1x128xi32, #tpu.memory_space<vmem>> -> memref<1x1x128xi32, #tpu.memory_space<vmem>>
          %dma_start3A_271 = tpu.memref_squeeze %dma_start3A_270 : memref<1x1x128xi32, #tpu.memory_space<vmem>> -> memref<1x128xi32, #tpu.memory_space<vmem>>
          %dma_start3A_272 = arith.constant 0 : i32
          %dma_start3A_273 = tpu.memref_slice %arg3[%dma_start3A_272, %mul3A_267] : memref<1x8192xi32, #tpu.memory_space<hbm>> -> memref<1x128xi32, #tpu.memory_space<hbm>>
          %dma_start3A_274 = tpu.memref_slice %run_scoped3A_7[%rem3A_265] : memref<2x!tpu.dma_semaphore, #tpu.memory_space<semaphore_mem>> -> memref<1x!tpu.dma_semaphore, #tpu.memory_space<semaphore_mem>>
          %dma_start3A_275 = tpu.memref_squeeze %dma_start3A_274 : memref<1x!tpu.dma_semaphore, #tpu.memory_space<semaphore_mem>> -> memref<!tpu.dma_semaphore, #tpu.memory_space<semaphore_mem>>
          %dma_start3A_276 = arith.constant 0 : i32
          %dma_start3A_277 = arith.constant 0 : i32
          %dma_start3A_278 = tpu.memref_slice %run_scoped3A[%rem3A_265, %dma_start3A_276, %dma_start3A_277] : memref<2x1x128xi32, #tpu.memory_space<vmem>> -> memref<1x1x128xi32, #tpu.memory_space<vmem>>
          %dma_start3A_279 = tpu.memref_squeeze %dma_start3A_278 : memref<1x1x128xi32, #tpu.memory_space<vmem>> -> memref<1x128xi32, #tpu.memory_space<vmem>>
          %dma_start3A_280 = arith.constant 0 : i32
          %dma_start3A_281 = tpu.memref_slice %arg3[%dma_start3A_280, %mul3A_267] : memref<1x8192xi32, #tpu.memory_space<hbm>> -> memref<1x128xi32, #tpu.memory_space<hbm>>
          tpu.enqueue_dma source(%dma_start3A_281 : memref<1x128xi32, #tpu.memory_space<hbm>>) target(%dma_start3A_279 : memref<1x128xi32, #tpu.memory_space<vmem>>) target_semaphore(%dma_start3A_275 : memref<!tpu.dma_semaphore, #tpu.memory_space<semaphore_mem>>)
          "tpu.trace_stop"() : () -> ()
        } else {
        }
        %and3A_163 = arith.constant true
        %and3A_164 = arith.andi %and3A, %and3A_163 : i1
        %add3A_165 = arith.constant 1 : i32
        %add3A_166 = arith.addi %scan3A_122, %add3A_165 : i32
        %select_n3A_167 = arith.select %and3A_164, %add3A_166, %scan3A_122 : i32
        %ne3A_168 = arith.cmpi ne, %add3A_131, %add3A_149 : i32
        %or3A_169 = arith.constant false
        %or3A_170 = arith.ori %or3A_169, %ne3A_168 : i1
        %or3A_171 = arith.constant false
        %or3A_172 = arith.ori %or3A_170, %or3A_171 : i1
        %ge3A_173 = arith.constant 1 : i32
        %ge3A_174 = arith.cmpi sge, %scan3A_121, %ge3A_173 : i32
        %not3A_175 = arith.constant true
        %not3A_176 = arith.xori %ge3A_174, %not3A_175 : i1
        %and3A_177 = arith.andi %or3A_172, %not3A_176 : i1
        %ne3A_178 = arith.cmpi ne, %add3A_131, %add3A_140 : i32
        %or3A_179 = arith.constant false
        %or3A_180 = arith.ori %or3A_179, %ne3A_178 : i1
        %or3A_181 = arith.ori %or3A_180, %eq3A_128 : i1
        %convert_element_type3A_182 = arith.extui %or3A_181 : i1 to i32
        %cond3A_183 = arith.constant 0 : i32
        %cond3A_184 = arith.cmpi ne, %convert_element_type3A_182, %cond3A_183 : i32
        scf.if %cond3A_184 {
          "tpu.trace_start"() <{level = 10 : i32, message = "ep_wait_in"}> : () -> ()
          %mul3A_264 = arith.constant 128 : i32
          %mul3A_265 = arith.muli %mul3A_264, %add3A_131 : i32
          %rem3A_266 = arith.constant 2 : i32
          %rem3A_267 = arith.remui %scan3A_123, %rem3A_266 : i32
          %dma_wait3A_268 = arith.constant 0 : i32
          %dma_wait3A_269 = arith.constant 0 : i32
          %dma_wait3A_270 = tpu.memref_slice %run_scoped3A[%rem3A_267, %dma_wait3A_268, %dma_wait3A_269] : memref<2x1x128xi32, #tpu.memory_space<vmem>> -> memref<1x1x128xi32, #tpu.memory_space<vmem>>
          %dma_wait3A_271 = tpu.memref_squeeze %dma_wait3A_270 : memref<1x1x128xi32, #tpu.memory_space<vmem>> -> memref<1x128xi32, #tpu.memory_space<vmem>>
          %dma_wait3A_272 = arith.constant 0 : i32
          %dma_wait3A_273 = tpu.memref_slice %arg3[%dma_wait3A_272, %mul3A_265] : memref<1x8192xi32, #tpu.memory_space<hbm>> -> memref<1x128xi32, #tpu.memory_space<hbm>>
          %dma_wait3A_274 = tpu.memref_slice %run_scoped3A_7[%rem3A_267] : memref<2x!tpu.dma_semaphore, #tpu.memory_space<semaphore_mem>> -> memref<1x!tpu.dma_semaphore, #tpu.memory_space<semaphore_mem>>
          %dma_wait3A_275 = tpu.memref_squeeze %dma_wait3A_274 : memref<1x!tpu.dma_semaphore, #tpu.memory_space<semaphore_mem>> -> memref<!tpu.dma_semaphore, #tpu.memory_space<semaphore_mem>>
          %dma_wait3A_276 = arith.constant 0 : i32
          %dma_wait3A_277 = arith.constant 0 : i32
          %dma_wait3A_278 = tpu.memref_slice %run_scoped3A[%rem3A_267, %dma_wait3A_276, %dma_wait3A_277] : memref<2x1x128xi32, #tpu.memory_space<vmem>> -> memref<1x1x128xi32, #tpu.memory_space<vmem>>
          %dma_wait3A_279 = tpu.memref_squeeze %dma_wait3A_278 : memref<1x1x128xi32, #tpu.memory_space<vmem>> -> memref<1x128xi32, #tpu.memory_space<vmem>>
          %dma_wait3A_280 = arith.constant 0 : i32
          %dma_wait3A_281 = tpu.memref_slice %arg3[%dma_wait3A_280, %mul3A_265] : memref<1x8192xi32, #tpu.memory_space<hbm>> -> memref<1x128xi32, #tpu.memory_space<hbm>>
          tpu.wait_dma2 semaphore(%dma_wait3A_275 : memref<!tpu.dma_semaphore, #tpu.memory_space<semaphore_mem>>) src(%dma_wait3A_281 : memref<1x128xi32, #tpu.memory_space<hbm>>) dst(%dma_wait3A_279 : memref<1x128xi32, #tpu.memory_space<vmem>>)
          "tpu.trace_stop"() : () -> ()
        } else {
        }
        %ne3A_185 = arith.cmpi ne, %add3A_131, %add3A_140 : i32
        %or3A_186 = arith.constant false
        %or3A_187 = arith.ori %or3A_186, %ne3A_185 : i1
        %or3A_188 = arith.constant false
        %or3A_189 = arith.ori %or3A_187, %or3A_188 : i1
        %or3A_190 = arith.ori %or3A_189, %eq3A_128 : i1
        %convert_element_type3A_191 = arith.extui %or3A_190 : i1 to i32
        %cond3A_192 = arith.constant 0 : i32
        %cond3A_193 = arith.cmpi ne, %convert_element_type3A_191, %cond3A_192 : i32
        scf.if %cond3A_193 {
        } else {
        }
        %rem3A_194 = arith.constant 2 : i32
        %rem3A_195 = arith.remui %scan3A_123, %rem3A_194 : i32
        %rem3A_196 = arith.constant 2 : i32
        %rem3A_197 = arith.remui %scan3A_124, %rem3A_196 : i32
        %run_scoped3A_198 = arith.constant 0 : i32
        "tpu.trace_start"() <{level = 10 : i32, message = "ep_run_kernel"}> : () -> ()
        "tpu.region"() ({
          %run_scoped3A_264 = tpu.sem_alloc : memref<!tpu.dma_semaphore, #tpu.memory_space<semaphore_mem>>
          %dma_start3A_265 = arith.constant 0 : i32
          %dma_start3A_266 = arith.constant 0 : i32
          %dma_start3A_267 = tpu.memref_slice %run_scoped3A_8[%rem3A_197, %dma_start3A_265, %dma_start3A_266] : memref<2x128x256xf32, #tpu.memory_space<vmem>> -> memref<1x128x256xf32, #tpu.memory_space<vmem>>
          %dma_start3A_268 = tpu.memref_squeeze %dma_start3A_267 : memref<1x128x256xf32, #tpu.memory_space<vmem>> -> memref<128x256xf32, #tpu.memory_space<vmem>>
          %dma_start3A_269 = arith.constant 0 : i32
          %dma_start3A_270 = arith.constant 0 : i32
          %dma_start3A_271 = tpu.memref_slice %run_scoped3A[%rem3A_195, %dma_start3A_269, %dma_start3A_270] : memref<2x1x128xi32, #tpu.memory_space<vmem>> -> memref<1x1x128xi32, #tpu.memory_space<vmem>>
          %dma_start3A_272 = tpu.memref_squeeze %dma_start3A_271 : memref<1x1x128xi32, #tpu.memory_space<vmem>> -> memref<1x128xi32, #tpu.memory_space<vmem>>
          %dma_start3A_273 = arith.constant 0 : i32
          %dma_start3A_274 = tpu.memref_slice %dma_start3A_272[%run_scoped3A_198, %dma_start3A_273] : memref<1x128xi32, #tpu.memory_space<vmem>> -> memref<1x128xi32, #tpu.memory_space<vmem>>
          %dma_start3A_275 = tpu.memref_squeeze %dma_start3A_274 : memref<1x128xi32, #tpu.memory_space<vmem>> -> memref<128xi32, #tpu.memory_space<vmem>>
          %dma_start3A_276 = arith.constant 0 : i32
          %dma_start3A_277 = arith.constant 0 : i32
          %dma_start3A_278 = tpu.memref_slice %arg2[%dma_start3A_276, %dma_start3A_277] : memref<8192x256xf32, #tpu.memory_space<hbm>> -> memref<8192x256xf32, #tpu.memory_space<hbm>>
          tpu.enqueue_indirect_dma source(%dma_start3A_278 : memref<8192x256xf32, #tpu.memory_space<hbm>>) target(%dma_start3A_268 : memref<128x256xf32, #tpu.memory_space<vmem>>) offsets(%dma_start3A_275 : memref<128xi32, #tpu.memory_space<vmem>>) semaphore(%run_scoped3A_264 : memref<!tpu.dma_semaphore, #tpu.memory_space<semaphore_mem>>)
          %dma_wait3A_279 = arith.constant 0 : i32
          %dma_wait3A_280 = arith.constant 0 : i32
          %dma_wait3A_281 = tpu.memref_slice %run_scoped3A_8[%rem3A_197, %dma_wait3A_279, %dma_wait3A_280] : memref<2x128x256xf32, #tpu.memory_space<vmem>> -> memref<1x128x256xf32, #tpu.memory_space<vmem>>
          %dma_wait3A_282 = tpu.memref_squeeze %dma_wait3A_281 : memref<1x128x256xf32, #tpu.memory_space<vmem>> -> memref<128x256xf32, #tpu.memory_space<vmem>>
          %dma_wait3A_283 = arith.constant 0 : i32
          %dma_wait3A_284 = arith.constant 0 : i32
          %dma_wait3A_285 = tpu.memref_slice %run_scoped3A[%rem3A_195, %dma_wait3A_283, %dma_wait3A_284] : memref<2x1x128xi32, #tpu.memory_space<vmem>> -> memref<1x1x128xi32, #tpu.memory_space<vmem>>
          %dma_wait3A_286 = tpu.memref_squeeze %dma_wait3A_285 : memref<1x1x128xi32, #tpu.memory_space<vmem>> -> memref<1x128xi32, #tpu.memory_space<vmem>>
          %dma_wait3A_287 = arith.constant 0 : i32
          %dma_wait3A_288 = tpu.memref_slice %dma_wait3A_286[%run_scoped3A_198, %dma_wait3A_287] : memref<1x128xi32, #tpu.memory_space<vmem>> -> memref<1x128xi32, #tpu.memory_space<vmem>>
          %dma_wait3A_289 = tpu.memref_squeeze %dma_wait3A_288 : memref<1x128xi32, #tpu.memory_space<vmem>> -> memref<128xi32, #tpu.memory_space<vmem>>
          %dma_wait3A_290 = arith.constant 0 : i32
          %dma_wait3A_291 = arith.constant 0 : i32
          %dma_wait3A_292 = tpu.memref_slice %arg2[%dma_wait3A_290, %dma_wait3A_291] : memref<8192x256xf32, #tpu.memory_space<hbm>> -> memref<8192x256xf32, #tpu.memory_space<hbm>>
          tpu.wait_indirect_dma semaphore(%run_scoped3A_264 : memref<!tpu.dma_semaphore, #tpu.memory_space<semaphore_mem>>) src(%dma_wait3A_292 : memref<8192x256xf32, #tpu.memory_space<hbm>>) dst(%dma_wait3A_282 : memref<128x256xf32, #tpu.memory_space<vmem>>)
          tpu.yield
        }) : () -> ()
        "tpu.trace_stop"() : () -> ()
        %ne3A_199 = arith.cmpi ne, %add3A_131, %add3A_149 : i32
        %or3A_200 = arith.constant false
        %or3A_201 = arith.ori %or3A_200, %ne3A_199 : i1
        %or3A_202 = arith.ori %or3A_201, %eq3A_130 : i1
        %convert_element_type3A_203 = arith.extui %or3A_202 : i1 to i32
        %cond3A_204 = arith.constant 0 : i32
        %cond3A_205 = arith.cmpi ne, %convert_element_type3A_203, %cond3A_204 : i32
        scf.if %cond3A_205 {
        } else {
        }
        %and3A_206 = arith.constant false
        %and3A_207 = arith.andi %or3A_202, %and3A_206 : i1
        %ne3A_208 = arith.cmpi ne, %add3A_131, %add3A_149 : i32
        %or3A_209 = arith.constant false
        %or3A_210 = arith.ori %or3A_209, %ne3A_208 : i1
        %or3A_211 = arith.constant false
        %or3A_212 = arith.ori %or3A_210, %or3A_211 : i1
        %or3A_213 = arith.ori %or3A_212, %eq3A_130 : i1
        %convert_element_type3A_214 = arith.extui %or3A_213 : i1 to i32
        %cond3A_215 = arith.constant 0 : i32
        %cond3A_216 = arith.cmpi ne, %convert_element_type3A_214, %cond3A_215 : i32
        scf.if %cond3A_216 {
          "tpu.trace_start"() <{level = 10 : i32, message = "ep_copy_out"}> : () -> ()
          %rem3A_264 = arith.constant 2 : i32
          %rem3A_265 = arith.remui %scan3A_124, %rem3A_264 : i32
          %mul3A_266 = arith.constant 128 : i32
          %mul3A_267 = arith.muli %mul3A_266, %add3A_131 : i32
          %dma_start3A_268 = arith.constant 0 : i32
          %dma_start3A_269 = arith.constant 0 : i32
          %dma_start3A_270 = tpu.memref_slice %run_scoped3A_8[%rem3A_265, %dma_start3A_268, %dma_start3A_269] : memref<2x128x256xf32, #tpu.memory_space<vmem>> -> memref<1x128x256xf32, #tpu.memory_space<vmem>>
          %dma_start3A_271 = tpu.memref_squeeze %dma_start3A_270 : memref<1x128x256xf32, #tpu.memory_space<vmem>> -> memref<128x256xf32, #tpu.memory_space<vmem>>
          %dma_start3A_272 = arith.constant 0 : i32
          %dma_start3A_273 = tpu.memref_slice %arg4[%mul3A_267, %dma_start3A_272] : memref<8192x256xf32, #tpu.memory_space<hbm>> -> memref<128x256xf32, #tpu.memory_space<hbm>>
          %dma_start3A_274 = tpu.memref_slice %run_scoped3A_9[%rem3A_265] : memref<2x!tpu.dma_semaphore, #tpu.memory_space<semaphore_mem>> -> memref<1x!tpu.dma_semaphore, #tpu.memory_space<semaphore_mem>>
          %dma_start3A_275 = tpu.memref_squeeze %dma_start3A_274 : memref<1x!tpu.dma_semaphore, #tpu.memory_space<semaphore_mem>> -> memref<!tpu.dma_semaphore, #tpu.memory_space<semaphore_mem>>
          %dma_start3A_276 = arith.constant 0 : i32
          %dma_start3A_277 = tpu.memref_slice %arg4[%mul3A_267, %dma_start3A_276] : memref<8192x256xf32, #tpu.memory_space<hbm>> -> memref<128x256xf32, #tpu.memory_space<hbm>>
          %dma_start3A_278 = arith.constant 0 : i32
          %dma_start3A_279 = arith.constant 0 : i32
          %dma_start3A_280 = tpu.memref_slice %run_scoped3A_8[%rem3A_265, %dma_start3A_278, %dma_start3A_279] : memref<2x128x256xf32, #tpu.memory_space<vmem>> -> memref<1x128x256xf32, #tpu.memory_space<vmem>>
          %dma_start3A_281 = tpu.memref_squeeze %dma_start3A_280 : memref<1x128x256xf32, #tpu.memory_space<vmem>> -> memref<128x256xf32, #tpu.memory_space<vmem>>
          tpu.enqueue_dma source(%dma_start3A_281 : memref<128x256xf32, #tpu.memory_space<vmem>>) target(%dma_start3A_277 : memref<128x256xf32, #tpu.memory_space<hbm>>) target_semaphore(%dma_start3A_275 : memref<!tpu.dma_semaphore, #tpu.memory_space<semaphore_mem>>)
          "tpu.trace_stop"() : () -> ()
        } else {
        }
        %and3A_217 = arith.constant true
        %and3A_218 = arith.andi %or3A_213, %and3A_217 : i1
        %add3A_219 = arith.constant 1 : i32
        %add3A_220 = arith.addi %scan3A_124, %add3A_219 : i32
        %select_n3A_221 = arith.select %and3A_218, %add3A_220, %scan3A_124 : i32
        %ne3A_222 = arith.cmpi ne, %add3A_131, %add3A_140 : i32
        %or3A_223 = arith.constant false
        %or3A_224 = arith.ori %or3A_223, %ne3A_222 : i1
        %not3A_225 = arith.constant true
        %not3A_226 = arith.xori %eq3A_128, %not3A_225 : i1
        %and3A_227 = arith.andi %or3A_224, %not3A_226 : i1
        %convert_element_type3A_228 = arith.extui %and3A_227 : i1 to i32
        %cond3A_229 = arith.constant 0 : i32
        %cond3A_230 = arith.cmpi ne, %convert_element_type3A_228, %cond3A_229 : i32
        scf.if %cond3A_230 {
        } else {
        }
        %and3A_231 = arith.constant false
        %and3A_232 = arith.andi %and3A_227, %and3A_231 : i1
        %ne3A_233 = arith.cmpi ne, %add3A_131, %add3A_140 : i32
        %or3A_234 = arith.constant false
        %or3A_235 = arith.ori %or3A_234, %ne3A_233 : i1
        %or3A_236 = arith.constant false
        %or3A_237 = arith.ori %or3A_235, %or3A_236 : i1
        %not3A_238 = arith.constant true
        %not3A_239 = arith.xori %eq3A_128, %not3A_238 : i1
        %and3A_240 = arith.andi %or3A_237, %not3A_239 : i1
        %convert_element_type3A_241 = arith.extui %and3A_240 : i1 to i32
        %cond3A_242 = arith.constant 0 : i32
        %cond3A_243 = arith.cmpi ne, %convert_element_type3A_241, %cond3A_242 : i32
        scf.if %cond3A_243 {
          "tpu.trace_start"() <{level = 10 : i32, message = "ep_wait_out"}> : () -> ()
          %rem3A_264 = arith.constant 2 : i32
          %rem3A_265 = arith.remui %scan3A_125, %rem3A_264 : i32
          %mul3A_266 = arith.constant 128 : i32
          %mul3A_267 = arith.muli %mul3A_266, %add3A_140 : i32
          %dma_wait3A_268 = arith.constant 0 : i32
          %dma_wait3A_269 = arith.constant 0 : i32
          %dma_wait3A_270 = tpu.memref_slice %run_scoped3A_8[%rem3A_265, %dma_wait3A_268, %dma_wait3A_269] : memref<2x128x256xf32, #tpu.memory_space<vmem>> -> memref<1x128x256xf32, #tpu.memory_space<vmem>>
          %dma_wait3A_271 = tpu.memref_squeeze %dma_wait3A_270 : memref<1x128x256xf32, #tpu.memory_space<vmem>> -> memref<128x256xf32, #tpu.memory_space<vmem>>
          %dma_wait3A_272 = arith.constant 0 : i32
          %dma_wait3A_273 = tpu.memref_slice %arg4[%mul3A_267, %dma_wait3A_272] : memref<8192x256xf32, #tpu.memory_space<hbm>> -> memref<128x256xf32, #tpu.memory_space<hbm>>
          %dma_wait3A_274 = tpu.memref_slice %run_scoped3A_9[%rem3A_265] : memref<2x!tpu.dma_semaphore, #tpu.memory_space<semaphore_mem>> -> memref<1x!tpu.dma_semaphore, #tpu.memory_space<semaphore_mem>>
          %dma_wait3A_275 = tpu.memref_squeeze %dma_wait3A_274 : memref<1x!tpu.dma_semaphore, #tpu.memory_space<semaphore_mem>> -> memref<!tpu.dma_semaphore, #tpu.memory_space<semaphore_mem>>
          %dma_wait3A_276 = arith.constant 0 : i32
          %dma_wait3A_277 = tpu.memref_slice %arg4[%mul3A_267, %dma_wait3A_276] : memref<8192x256xf32, #tpu.memory_space<hbm>> -> memref<128x256xf32, #tpu.memory_space<hbm>>
          %dma_wait3A_278 = arith.constant 0 : i32
          %dma_wait3A_279 = arith.constant 0 : i32
          %dma_wait3A_280 = tpu.memref_slice %run_scoped3A_8[%rem3A_265, %dma_wait3A_278, %dma_wait3A_279] : memref<2x128x256xf32, #tpu.memory_space<vmem>> -> memref<1x128x256xf32, #tpu.memory_space<vmem>>
          %dma_wait3A_281 = tpu.memref_squeeze %dma_wait3A_280 : memref<1x128x256xf32, #tpu.memory_space<vmem>> -> memref<128x256xf32, #tpu.memory_space<vmem>>
          tpu.wait_dma2 semaphore(%dma_wait3A_275 : memref<!tpu.dma_semaphore, #tpu.memory_space<semaphore_mem>>) src(%dma_wait3A_281 : memref<128x256xf32, #tpu.memory_space<vmem>>) dst(%dma_wait3A_277 : memref<128x256xf32, #tpu.memory_space<hbm>>)
          "tpu.trace_stop"() : () -> ()
        } else {
        }
        %and3A_244 = arith.constant true
        %and3A_245 = arith.andi %and3A_240, %and3A_244 : i1
        %add3A_246 = arith.constant 1 : i32
        %add3A_247 = arith.addi %scan3A_125, %add3A_246 : i32
        %select_n3A_248 = arith.select %and3A_245, %add3A_247, %scan3A_125 : i32
        %ne3A_249 = arith.cmpi ne, %add3A_131, %add3A_149 : i32
        %or3A_250 = arith.constant false
        %or3A_251 = arith.ori %or3A_250, %ne3A_249 : i1
        %or3A_252 = arith.ori %or3A_251, %eq3A_130 : i1
        %add3A_253 = arith.constant 1 : i32
        %add3A_254 = arith.addi %scan3A_123, %add3A_253 : i32
        %select_n3A_255 = arith.select %or3A_252, %add3A_254, %scan3A_123 : i32
        %add3A_256 = arith.constant 1 : i32
        %add3A_257 = arith.addi %scan3A_126, %add3A_256 : i32
        %select_n3A_258 = arith.constant true
        %select_n3A_259 = arith.select %select_n3A_258, %add3A_257, %scan3A_126 : i32
        %eq3A_260 = arith.constant 2 : i32
        %eq3A_261 = arith.cmpi eq, %select_n3A_259, %eq3A_260 : i32
        %select_n3A_262 = arith.constant 0 : i32
        %select_n3A_263 = arith.select %eq3A_261, %select_n3A_262, %select_n3A_259 : i32
        scf.yield %select_n3A_167, %select_n3A_255, %select_n3A_221, %select_n3A_248, %select_n3A_263 : i32, i32, i32, i32, i32
      }
      %scan3A_68 = arith.constant 2 : i32
      %sub3A = arith.constant 1 : i32
      %sub3A_69 = arith.subi %scan3A_67#4, %sub3A : i32
      %select_n3A_70 = arith.constant true
      %select_n3A_71 = arith.select %select_n3A_70, %sub3A_69, %scan3A_67#4 : i32
      %eq3A_72 = arith.constant -1 : i32
      %eq3A_73 = arith.cmpi eq, %select_n3A_71, %eq3A_72 : i32
      %select_n3A_74 = arith.constant 1 : i32
      %select_n3A_75 = arith.select %eq3A_73, %select_n3A_74, %select_n3A_71 : i32
      %add3A_76 = arith.addi %select_n3A_75, %mul3A_6 : i32
      %sub3A_77 = arith.constant 1 : i32
      %sub3A_78 = arith.subi %select_n3A_75, %sub3A_77 : i32
      %select_n3A_79 = arith.constant true
      %select_n3A_80 = arith.select %select_n3A_79, %sub3A_78, %select_n3A_75 : i32
      %eq3A_81 = arith.constant -1 : i32
      %eq3A_82 = arith.cmpi eq, %select_n3A_80, %eq3A_81 : i32
      %select_n3A_83 = arith.constant 1 : i32
      %select_n3A_84 = arith.select %eq3A_82, %select_n3A_83, %select_n3A_80 : i32
      %add3A_85 = arith.addi %select_n3A_84, %mul3A_6 : i32
      %add3A_86 = arith.constant 1 : i32
      %add3A_87 = arith.addi %select_n3A_75, %add3A_86 : i32
      %select_n3A_88 = arith.constant true
      %select_n3A_89 = arith.select %select_n3A_88, %add3A_87, %select_n3A_75 : i32
      %eq3A_90 = arith.constant 2 : i32
      %eq3A_91 = arith.cmpi eq, %select_n3A_89, %eq3A_90 : i32
      %select_n3A_92 = arith.constant 0 : i32
      %select_n3A_93 = arith.select %eq3A_91, %select_n3A_92, %select_n3A_89 : i32
      %add3A_94 = arith.addi %select_n3A_93, %mul3A_6 : i32
      %add3A_95 = arith.constant 1 : i32
      %add3A_96 = arith.addi %select_n3A_93, %add3A_95 : i32
      %select_n3A_97 = arith.constant true
      %select_n3A_98 = arith.select %select_n3A_97, %add3A_96, %select_n3A_93 : i32
      %eq3A_99 = arith.constant 2 : i32
      %eq3A_100 = arith.cmpi eq, %select_n3A_98, %eq3A_99 : i32
      %select_n3A_101 = arith.constant 0 : i32
      %select_n3A_102 = arith.select %eq3A_100, %select_n3A_101, %select_n3A_98 : i32
      %add3A_103 = arith.addi %select_n3A_102, %mul3A_6 : i32
      "tpu.trace_start"() <{level = 10 : i32, message = "ep_finalize"}> : () -> ()
      %rem3A_104 = arith.constant 2 : i32
      %rem3A_105 = arith.remui %scan3A_67#3, %rem3A_104 : i32
      %mul3A_106 = arith.constant 128 : i32
      %mul3A_107 = arith.muli %mul3A_106, %add3A_76 : i32
      %dma_wait3A = arith.constant 0 : i32
      %dma_wait3A_108 = arith.constant 0 : i32
      %dma_wait3A_109 = tpu.memref_slice %run_scoped3A_8[%rem3A_105, %dma_wait3A, %dma_wait3A_108] : memref<2x128x256xf32, #tpu.memory_space<vmem>> -> memref<1x128x256xf32, #tpu.memory_space<vmem>>
      %dma_wait3A_110 = tpu.memref_squeeze %dma_wait3A_109 : memref<1x128x256xf32, #tpu.memory_space<vmem>> -> memref<128x256xf32, #tpu.memory_space<vmem>>
      %dma_wait3A_111 = arith.constant 0 : i32
      %dma_wait3A_112 = tpu.memref_slice %arg4[%mul3A_107, %dma_wait3A_111] : memref<8192x256xf32, #tpu.memory_space<hbm>> -> memref<128x256xf32, #tpu.memory_space<hbm>>
      %dma_wait3A_113 = tpu.memref_slice %run_scoped3A_9[%rem3A_105] : memref<2x!tpu.dma_semaphore, #tpu.memory_space<semaphore_mem>> -> memref<1x!tpu.dma_semaphore, #tpu.memory_space<semaphore_mem>>
      %dma_wait3A_114 = tpu.memref_squeeze %dma_wait3A_113 : memref<1x!tpu.dma_semaphore, #tpu.memory_space<semaphore_mem>> -> memref<!tpu.dma_semaphore, #tpu.memory_space<semaphore_mem>>
      %dma_wait3A_115 = arith.constant 0 : i32
      %dma_wait3A_116 = tpu.memref_slice %arg4[%mul3A_107, %dma_wait3A_115] : memref<8192x256xf32, #tpu.memory_space<hbm>> -> memref<128x256xf32, #tpu.memory_space<hbm>>
      %dma_wait3A_117 = arith.constant 0 : i32
      %dma_wait3A_118 = arith.constant 0 : i32
      %dma_wait3A_119 = tpu.memref_slice %run_scoped3A_8[%rem3A_105, %dma_wait3A_117, %dma_wait3A_118] : memref<2x128x256xf32, #tpu.memory_space<vmem>> -> memref<1x128x256xf32, #tpu.memory_space<vmem>>
      %dma_wait3A_120 = tpu.memref_squeeze %dma_wait3A_119 : memref<1x128x256xf32, #tpu.memory_space<vmem>> -> memref<128x256xf32, #tpu.memory_space<vmem>>
      tpu.wait_dma2 semaphore(%dma_wait3A_114 : memref<!tpu.dma_semaphore, #tpu.memory_space<semaphore_mem>>) src(%dma_wait3A_120 : memref<128x256xf32, #tpu.memory_space<vmem>>) dst(%dma_wait3A_116 : memref<128x256xf32, #tpu.memory_space<hbm>>)
      "tpu.trace_stop"() : () -> ()
      tpu.yield
    }) : () -> ()
    return
  }
}

module attributes {stable_mosaic.version = 14 : i64} {
  func.func @_dist_argmin_body(%arg0: i32, %arg1: i32, %arg2: memref<2048x256xf32, #tpu.memory_space<vmem>>, %arg3: memref<2048x1xf32, #tpu.memory_space<vmem>>, %arg4: memref<2048x256xf32, #tpu.memory_space<vmem>>, %arg5: memref<1x1x2048xi32, #tpu.memory_space<vmem>>, %arg6: memref<2048x1xf32, #tpu.memory_space<vmem>>, %arg7: memref<2048x1xi32, #tpu.memory_space<vmem>>) attributes {dimension_semantics = [#tpu.dimension_semantics<arbitrary>, #tpu.dimension_semantics<arbitrary>], iteration_bounds = array<i64: 4, 4>, scalar_prefetch = 0 : i64, scratch_operands = 2 : i64, tpu.core_type = #tpu.core_type<tc>, window_params = [{transform_indices = @transform_0, window_bounds = array<i64: 2048, 256>}, {transform_indices = @transform_1, window_bounds = array<i64: 2048, 1>}, {transform_indices = @transform_2, window_bounds = array<i64: 2048, 256>}, {transform_indices = @transform_3, window_bounds = array<i64: 1, 1, 2048>}]} {
    %get3A = arith.constant 0 : index
    %get3A_0 = arith.constant 0 : index
    %get3A_1 = vector.load %arg4[%get3A, %get3A_0] : memref<2048x256xf32, #tpu.memory_space<vmem>>, vector<2048x256xf32>
    %mul3A = arith.mulf %get3A_1, %get3A_1 : vector<2048x256xf32>
    %reduce_sum3A = arith.constant dense<0.000000e+00> : vector<2048xf32>
    %reduce_sum3A_2 = vector.multi_reduction <add>, %mul3A, %reduce_sum3A [1] : vector<2048x256xf32> to vector<2048xf32>
    %get3A_3 = arith.constant 0 : index
    %get3A_4 = arith.constant 0 : index
    %get3A_5 = vector.load %arg3[%get3A_3, %get3A_4] : memref<2048x1xf32, #tpu.memory_space<vmem>>, vector<2048x1xf32>
    %squeeze3A = vector.shape_cast %get3A_5 : vector<2048x1xf32> to vector<2048xf32>
    %get3A_6 = arith.constant 0 : index
    %get3A_7 = arith.constant 0 : index
    %get3A_8 = vector.load %arg2[%get3A_6, %get3A_7] : memref<2048x256xf32, #tpu.memory_space<vmem>>, vector<2048x256xf32>
    %mul3A_9 = arith.constant -2.000000e+00 : f32
    %mul3A_10 = vector.broadcast %mul3A_9 : f32 to vector<2048x256xf32>
    %mul3A_11 = arith.mulf %get3A_8, %mul3A_10 : vector<2048x256xf32>
    %dot_general3A = arith.constant dense<0.000000e+00> : vector<2048x2048xf32>
    %dot_general3A_12 = tpu.matmul %mul3A_11, %get3A_1, %dot_general3A {dimension_numbers = #tpu.dot_dimension_numbers<[1], [1], [0], [0], [0, 0, 1, 0], [], []>, transpose_lhs_hint = false} : vector<2048x256xf32>, vector<2048x256xf32>, vector<2048x2048xf32> -> vector<2048x2048xf32>
    %broadcast_in_dim3A = vector.shape_cast %squeeze3A : vector<2048xf32> to vector<2048x1xf32>
    %iota3A = tpu.iota {dimensions = array<i32: 1>} : vector<2048x128xi32>
    %slice3A = vector.extract_strided_slice %reduce_sum3A_2 {offsets = [0], sizes = [128], strides = [1]} : vector<2048xf32> to vector<128xf32>
    %broadcast_in_dim3A_13 = vector.shape_cast %slice3A : vector<128xf32> to vector<1x128xf32>
    %add3A = vector.broadcast %broadcast_in_dim3A : vector<2048x1xf32> to vector<2048x128xf32>
    %add3A_14 = vector.broadcast %broadcast_in_dim3A_13 : vector<1x128xf32> to vector<2048x128xf32>
    %add3A_15 = arith.addf %add3A, %add3A_14 : vector<2048x128xf32>
    %slice3A_16 = vector.extract_strided_slice %dot_general3A_12 {offsets = [0, 0], sizes = [2048, 128], strides = [1, 1]} : vector<2048x2048xf32> to vector<2048x128xf32>
    %add3A_17 = arith.addf %add3A_15, %slice3A_16 : vector<2048x128xf32>
    %slice3A_18 = vector.extract_strided_slice %reduce_sum3A_2 {offsets = [128], sizes = [128], strides = [1]} : vector<2048xf32> to vector<128xf32>
    %broadcast_in_dim3A_19 = vector.shape_cast %slice3A_18 : vector<128xf32> to vector<1x128xf32>
    %add3A_20 = vector.broadcast %broadcast_in_dim3A : vector<2048x1xf32> to vector<2048x128xf32>
    %add3A_21 = vector.broadcast %broadcast_in_dim3A_19 : vector<1x128xf32> to vector<2048x128xf32>
    %add3A_22 = arith.addf %add3A_20, %add3A_21 : vector<2048x128xf32>
    %slice3A_23 = vector.extract_strided_slice %dot_general3A_12 {offsets = [0, 128], sizes = [2048, 128], strides = [1, 1]} : vector<2048x2048xf32> to vector<2048x128xf32>
    %add3A_24 = arith.addf %add3A_22, %slice3A_23 : vector<2048x128xf32>
    %lt3A = arith.cmpf olt, %add3A_24, %add3A_17 : vector<2048x128xf32>
    %select_n3A = arith.select %lt3A, %add3A_24, %add3A_17 : vector<2048x128xi1>, vector<2048x128xf32>
    %add3A_25 = arith.constant 128 : i32
    %add3A_26 = vector.broadcast %add3A_25 : i32 to vector<2048x128xi32>
    %add3A_27 = arith.addi %iota3A, %add3A_26 : vector<2048x128xi32>
    %select_n3A_28 = arith.select %lt3A, %add3A_27, %iota3A : vector<2048x128xi1>, vector<2048x128xi32>
    %slice3A_29 = vector.extract_strided_slice %reduce_sum3A_2 {offsets = [256], sizes = [128], strides = [1]} : vector<2048xf32> to vector<128xf32>
    %broadcast_in_dim3A_30 = vector.shape_cast %slice3A_29 : vector<128xf32> to vector<1x128xf32>
    %add3A_31 = vector.broadcast %broadcast_in_dim3A : vector<2048x1xf32> to vector<2048x128xf32>
    %add3A_32 = vector.broadcast %broadcast_in_dim3A_30 : vector<1x128xf32> to vector<2048x128xf32>
    %add3A_33 = arith.addf %add3A_31, %add3A_32 : vector<2048x128xf32>
    %slice3A_34 = vector.extract_strided_slice %dot_general3A_12 {offsets = [0, 256], sizes = [2048, 128], strides = [1, 1]} : vector<2048x2048xf32> to vector<2048x128xf32>
    %add3A_35 = arith.addf %add3A_33, %slice3A_34 : vector<2048x128xf32>
    %lt3A_36 = arith.cmpf olt, %add3A_35, %select_n3A : vector<2048x128xf32>
    %select_n3A_37 = arith.select %lt3A_36, %add3A_35, %select_n3A : vector<2048x128xi1>, vector<2048x128xf32>
    %add3A_38 = arith.constant 256 : i32
    %add3A_39 = vector.broadcast %add3A_38 : i32 to vector<2048x128xi32>
    %add3A_40 = arith.addi %iota3A, %add3A_39 : vector<2048x128xi32>
    %select_n3A_41 = arith.select %lt3A_36, %add3A_40, %select_n3A_28 : vector<2048x128xi1>, vector<2048x128xi32>
    %slice3A_42 = vector.extract_strided_slice %reduce_sum3A_2 {offsets = [384], sizes = [128], strides = [1]} : vector<2048xf32> to vector<128xf32>
    %broadcast_in_dim3A_43 = vector.shape_cast %slice3A_42 : vector<128xf32> to vector<1x128xf32>
    %add3A_44 = vector.broadcast %broadcast_in_dim3A : vector<2048x1xf32> to vector<2048x128xf32>
    %add3A_45 = vector.broadcast %broadcast_in_dim3A_43 : vector<1x128xf32> to vector<2048x128xf32>
    %add3A_46 = arith.addf %add3A_44, %add3A_45 : vector<2048x128xf32>
    %slice3A_47 = vector.extract_strided_slice %dot_general3A_12 {offsets = [0, 384], sizes = [2048, 128], strides = [1, 1]} : vector<2048x2048xf32> to vector<2048x128xf32>
    %add3A_48 = arith.addf %add3A_46, %slice3A_47 : vector<2048x128xf32>
    %lt3A_49 = arith.cmpf olt, %add3A_48, %select_n3A_37 : vector<2048x128xf32>
    %select_n3A_50 = arith.select %lt3A_49, %add3A_48, %select_n3A_37 : vector<2048x128xi1>, vector<2048x128xf32>
    %add3A_51 = arith.constant 384 : i32
    %add3A_52 = vector.broadcast %add3A_51 : i32 to vector<2048x128xi32>
    %add3A_53 = arith.addi %iota3A, %add3A_52 : vector<2048x128xi32>
    %select_n3A_54 = arith.select %lt3A_49, %add3A_53, %select_n3A_41 : vector<2048x128xi1>, vector<2048x128xi32>
    %slice3A_55 = vector.extract_strided_slice %reduce_sum3A_2 {offsets = [512], sizes = [128], strides = [1]} : vector<2048xf32> to vector<128xf32>
    %broadcast_in_dim3A_56 = vector.shape_cast %slice3A_55 : vector<128xf32> to vector<1x128xf32>
    %add3A_57 = vector.broadcast %broadcast_in_dim3A : vector<2048x1xf32> to vector<2048x128xf32>
    %add3A_58 = vector.broadcast %broadcast_in_dim3A_56 : vector<1x128xf32> to vector<2048x128xf32>
    %add3A_59 = arith.addf %add3A_57, %add3A_58 : vector<2048x128xf32>
    %slice3A_60 = vector.extract_strided_slice %dot_general3A_12 {offsets = [0, 512], sizes = [2048, 128], strides = [1, 1]} : vector<2048x2048xf32> to vector<2048x128xf32>
    %add3A_61 = arith.addf %add3A_59, %slice3A_60 : vector<2048x128xf32>
    %lt3A_62 = arith.cmpf olt, %add3A_61, %select_n3A_50 : vector<2048x128xf32>
    %select_n3A_63 = arith.select %lt3A_62, %add3A_61, %select_n3A_50 : vector<2048x128xi1>, vector<2048x128xf32>
    %add3A_64 = arith.constant 512 : i32
    %add3A_65 = vector.broadcast %add3A_64 : i32 to vector<2048x128xi32>
    %add3A_66 = arith.addi %iota3A, %add3A_65 : vector<2048x128xi32>
    %select_n3A_67 = arith.select %lt3A_62, %add3A_66, %select_n3A_54 : vector<2048x128xi1>, vector<2048x128xi32>
    %slice3A_68 = vector.extract_strided_slice %reduce_sum3A_2 {offsets = [640], sizes = [128], strides = [1]} : vector<2048xf32> to vector<128xf32>
    %broadcast_in_dim3A_69 = vector.shape_cast %slice3A_68 : vector<128xf32> to vector<1x128xf32>
    %add3A_70 = vector.broadcast %broadcast_in_dim3A : vector<2048x1xf32> to vector<2048x128xf32>
    %add3A_71 = vector.broadcast %broadcast_in_dim3A_69 : vector<1x128xf32> to vector<2048x128xf32>
    %add3A_72 = arith.addf %add3A_70, %add3A_71 : vector<2048x128xf32>
    %slice3A_73 = vector.extract_strided_slice %dot_general3A_12 {offsets = [0, 640], sizes = [2048, 128], strides = [1, 1]} : vector<2048x2048xf32> to vector<2048x128xf32>
    %add3A_74 = arith.addf %add3A_72, %slice3A_73 : vector<2048x128xf32>
    %lt3A_75 = arith.cmpf olt, %add3A_74, %select_n3A_63 : vector<2048x128xf32>
    %select_n3A_76 = arith.select %lt3A_75, %add3A_74, %select_n3A_63 : vector<2048x128xi1>, vector<2048x128xf32>
    %add3A_77 = arith.constant 640 : i32
    %add3A_78 = vector.broadcast %add3A_77 : i32 to vector<2048x128xi32>
    %add3A_79 = arith.addi %iota3A, %add3A_78 : vector<2048x128xi32>
    %select_n3A_80 = arith.select %lt3A_75, %add3A_79, %select_n3A_67 : vector<2048x128xi1>, vector<2048x128xi32>
    %slice3A_81 = vector.extract_strided_slice %reduce_sum3A_2 {offsets = [768], sizes = [128], strides = [1]} : vector<2048xf32> to vector<128xf32>
    %broadcast_in_dim3A_82 = vector.shape_cast %slice3A_81 : vector<128xf32> to vector<1x128xf32>
    %add3A_83 = vector.broadcast %broadcast_in_dim3A : vector<2048x1xf32> to vector<2048x128xf32>
    %add3A_84 = vector.broadcast %broadcast_in_dim3A_82 : vector<1x128xf32> to vector<2048x128xf32>
    %add3A_85 = arith.addf %add3A_83, %add3A_84 : vector<2048x128xf32>
    %slice3A_86 = vector.extract_strided_slice %dot_general3A_12 {offsets = [0, 768], sizes = [2048, 128], strides = [1, 1]} : vector<2048x2048xf32> to vector<2048x128xf32>
    %add3A_87 = arith.addf %add3A_85, %slice3A_86 : vector<2048x128xf32>
    %lt3A_88 = arith.cmpf olt, %add3A_87, %select_n3A_76 : vector<2048x128xf32>
    %select_n3A_89 = arith.select %lt3A_88, %add3A_87, %select_n3A_76 : vector<2048x128xi1>, vector<2048x128xf32>
    %add3A_90 = arith.constant 768 : i32
    %add3A_91 = vector.broadcast %add3A_90 : i32 to vector<2048x128xi32>
    %add3A_92 = arith.addi %iota3A, %add3A_91 : vector<2048x128xi32>
    %select_n3A_93 = arith.select %lt3A_88, %add3A_92, %select_n3A_80 : vector<2048x128xi1>, vector<2048x128xi32>
    %slice3A_94 = vector.extract_strided_slice %reduce_sum3A_2 {offsets = [896], sizes = [128], strides = [1]} : vector<2048xf32> to vector<128xf32>
    %broadcast_in_dim3A_95 = vector.shape_cast %slice3A_94 : vector<128xf32> to vector<1x128xf32>
    %add3A_96 = vector.broadcast %broadcast_in_dim3A : vector<2048x1xf32> to vector<2048x128xf32>
    %add3A_97 = vector.broadcast %broadcast_in_dim3A_95 : vector<1x128xf32> to vector<2048x128xf32>
    %add3A_98 = arith.addf %add3A_96, %add3A_97 : vector<2048x128xf32>
    %slice3A_99 = vector.extract_strided_slice %dot_general3A_12 {offsets = [0, 896], sizes = [2048, 128], strides = [1, 1]} : vector<2048x2048xf32> to vector<2048x128xf32>
    %add3A_100 = arith.addf %add3A_98, %slice3A_99 : vector<2048x128xf32>
    %lt3A_101 = arith.cmpf olt, %add3A_100, %select_n3A_89 : vector<2048x128xf32>
    %select_n3A_102 = arith.select %lt3A_101, %add3A_100, %select_n3A_89 : vector<2048x128xi1>, vector<2048x128xf32>
    %add3A_103 = arith.constant 896 : i32
    %add3A_104 = vector.broadcast %add3A_103 : i32 to vector<2048x128xi32>
    %add3A_105 = arith.addi %iota3A, %add3A_104 : vector<2048x128xi32>
    %select_n3A_106 = arith.select %lt3A_101, %add3A_105, %select_n3A_93 : vector<2048x128xi1>, vector<2048x128xi32>
    %slice3A_107 = vector.extract_strided_slice %reduce_sum3A_2 {offsets = [1024], sizes = [128], strides = [1]} : vector<2048xf32> to vector<128xf32>
    %broadcast_in_dim3A_108 = vector.shape_cast %slice3A_107 : vector<128xf32> to vector<1x128xf32>
    %add3A_109 = vector.broadcast %broadcast_in_dim3A : vector<2048x1xf32> to vector<2048x128xf32>
    %add3A_110 = vector.broadcast %broadcast_in_dim3A_108 : vector<1x128xf32> to vector<2048x128xf32>
    %add3A_111 = arith.addf %add3A_109, %add3A_110 : vector<2048x128xf32>
    %slice3A_112 = vector.extract_strided_slice %dot_general3A_12 {offsets = [0, 1024], sizes = [2048, 128], strides = [1, 1]} : vector<2048x2048xf32> to vector<2048x128xf32>
    %add3A_113 = arith.addf %add3A_111, %slice3A_112 : vector<2048x128xf32>
    %lt3A_114 = arith.cmpf olt, %add3A_113, %select_n3A_102 : vector<2048x128xf32>
    %select_n3A_115 = arith.select %lt3A_114, %add3A_113, %select_n3A_102 : vector<2048x128xi1>, vector<2048x128xf32>
    %add3A_116 = arith.constant 1024 : i32
    %add3A_117 = vector.broadcast %add3A_116 : i32 to vector<2048x128xi32>
    %add3A_118 = arith.addi %iota3A, %add3A_117 : vector<2048x128xi32>
    %select_n3A_119 = arith.select %lt3A_114, %add3A_118, %select_n3A_106 : vector<2048x128xi1>, vector<2048x128xi32>
    %slice3A_120 = vector.extract_strided_slice %reduce_sum3A_2 {offsets = [1152], sizes = [128], strides = [1]} : vector<2048xf32> to vector<128xf32>
    %broadcast_in_dim3A_121 = vector.shape_cast %slice3A_120 : vector<128xf32> to vector<1x128xf32>
    %add3A_122 = vector.broadcast %broadcast_in_dim3A : vector<2048x1xf32> to vector<2048x128xf32>
    %add3A_123 = vector.broadcast %broadcast_in_dim3A_121 : vector<1x128xf32> to vector<2048x128xf32>
    %add3A_124 = arith.addf %add3A_122, %add3A_123 : vector<2048x128xf32>
    %slice3A_125 = vector.extract_strided_slice %dot_general3A_12 {offsets = [0, 1152], sizes = [2048, 128], strides = [1, 1]} : vector<2048x2048xf32> to vector<2048x128xf32>
    %add3A_126 = arith.addf %add3A_124, %slice3A_125 : vector<2048x128xf32>
    %lt3A_127 = arith.cmpf olt, %add3A_126, %select_n3A_115 : vector<2048x128xf32>
    %select_n3A_128 = arith.select %lt3A_127, %add3A_126, %select_n3A_115 : vector<2048x128xi1>, vector<2048x128xf32>
    %add3A_129 = arith.constant 1152 : i32
    %add3A_130 = vector.broadcast %add3A_129 : i32 to vector<2048x128xi32>
    %add3A_131 = arith.addi %iota3A, %add3A_130 : vector<2048x128xi32>
    %select_n3A_132 = arith.select %lt3A_127, %add3A_131, %select_n3A_119 : vector<2048x128xi1>, vector<2048x128xi32>
    %slice3A_133 = vector.extract_strided_slice %reduce_sum3A_2 {offsets = [1280], sizes = [128], strides = [1]} : vector<2048xf32> to vector<128xf32>
    %broadcast_in_dim3A_134 = vector.shape_cast %slice3A_133 : vector<128xf32> to vector<1x128xf32>
    %add3A_135 = vector.broadcast %broadcast_in_dim3A : vector<2048x1xf32> to vector<2048x128xf32>
    %add3A_136 = vector.broadcast %broadcast_in_dim3A_134 : vector<1x128xf32> to vector<2048x128xf32>
    %add3A_137 = arith.addf %add3A_135, %add3A_136 : vector<2048x128xf32>
    %slice3A_138 = vector.extract_strided_slice %dot_general3A_12 {offsets = [0, 1280], sizes = [2048, 128], strides = [1, 1]} : vector<2048x2048xf32> to vector<2048x128xf32>
    %add3A_139 = arith.addf %add3A_137, %slice3A_138 : vector<2048x128xf32>
    %lt3A_140 = arith.cmpf olt, %add3A_139, %select_n3A_128 : vector<2048x128xf32>
    %select_n3A_141 = arith.select %lt3A_140, %add3A_139, %select_n3A_128 : vector<2048x128xi1>, vector<2048x128xf32>
    %add3A_142 = arith.constant 1280 : i32
    %add3A_143 = vector.broadcast %add3A_142 : i32 to vector<2048x128xi32>
    %add3A_144 = arith.addi %iota3A, %add3A_143 : vector<2048x128xi32>
    %select_n3A_145 = arith.select %lt3A_140, %add3A_144, %select_n3A_132 : vector<2048x128xi1>, vector<2048x128xi32>
    %slice3A_146 = vector.extract_strided_slice %reduce_sum3A_2 {offsets = [1408], sizes = [128], strides = [1]} : vector<2048xf32> to vector<128xf32>
    %broadcast_in_dim3A_147 = vector.shape_cast %slice3A_146 : vector<128xf32> to vector<1x128xf32>
    %add3A_148 = vector.broadcast %broadcast_in_dim3A : vector<2048x1xf32> to vector<2048x128xf32>
    %add3A_149 = vector.broadcast %broadcast_in_dim3A_147 : vector<1x128xf32> to vector<2048x128xf32>
    %add3A_150 = arith.addf %add3A_148, %add3A_149 : vector<2048x128xf32>
    %slice3A_151 = vector.extract_strided_slice %dot_general3A_12 {offsets = [0, 1408], sizes = [2048, 128], strides = [1, 1]} : vector<2048x2048xf32> to vector<2048x128xf32>
    %add3A_152 = arith.addf %add3A_150, %slice3A_151 : vector<2048x128xf32>
    %lt3A_153 = arith.cmpf olt, %add3A_152, %select_n3A_141 : vector<2048x128xf32>
    %select_n3A_154 = arith.select %lt3A_153, %add3A_152, %select_n3A_141 : vector<2048x128xi1>, vector<2048x128xf32>
    %add3A_155 = arith.constant 1408 : i32
    %add3A_156 = vector.broadcast %add3A_155 : i32 to vector<2048x128xi32>
    %add3A_157 = arith.addi %iota3A, %add3A_156 : vector<2048x128xi32>
    %select_n3A_158 = arith.select %lt3A_153, %add3A_157, %select_n3A_145 : vector<2048x128xi1>, vector<2048x128xi32>
    %slice3A_159 = vector.extract_strided_slice %reduce_sum3A_2 {offsets = [1536], sizes = [128], strides = [1]} : vector<2048xf32> to vector<128xf32>
    %broadcast_in_dim3A_160 = vector.shape_cast %slice3A_159 : vector<128xf32> to vector<1x128xf32>
    %add3A_161 = vector.broadcast %broadcast_in_dim3A : vector<2048x1xf32> to vector<2048x128xf32>
    %add3A_162 = vector.broadcast %broadcast_in_dim3A_160 : vector<1x128xf32> to vector<2048x128xf32>
    %add3A_163 = arith.addf %add3A_161, %add3A_162 : vector<2048x128xf32>
    %slice3A_164 = vector.extract_strided_slice %dot_general3A_12 {offsets = [0, 1536], sizes = [2048, 128], strides = [1, 1]} : vector<2048x2048xf32> to vector<2048x128xf32>
    %add3A_165 = arith.addf %add3A_163, %slice3A_164 : vector<2048x128xf32>
    %lt3A_166 = arith.cmpf olt, %add3A_165, %select_n3A_154 : vector<2048x128xf32>
    %select_n3A_167 = arith.select %lt3A_166, %add3A_165, %select_n3A_154 : vector<2048x128xi1>, vector<2048x128xf32>
    %add3A_168 = arith.constant 1536 : i32
    %add3A_169 = vector.broadcast %add3A_168 : i32 to vector<2048x128xi32>
    %add3A_170 = arith.addi %iota3A, %add3A_169 : vector<2048x128xi32>
    %select_n3A_171 = arith.select %lt3A_166, %add3A_170, %select_n3A_158 : vector<2048x128xi1>, vector<2048x128xi32>
    %slice3A_172 = vector.extract_strided_slice %reduce_sum3A_2 {offsets = [1664], sizes = [128], strides = [1]} : vector<2048xf32> to vector<128xf32>
    %broadcast_in_dim3A_173 = vector.shape_cast %slice3A_172 : vector<128xf32> to vector<1x128xf32>
    %add3A_174 = vector.broadcast %broadcast_in_dim3A : vector<2048x1xf32> to vector<2048x128xf32>
    %add3A_175 = vector.broadcast %broadcast_in_dim3A_173 : vector<1x128xf32> to vector<2048x128xf32>
    %add3A_176 = arith.addf %add3A_174, %add3A_175 : vector<2048x128xf32>
    %slice3A_177 = vector.extract_strided_slice %dot_general3A_12 {offsets = [0, 1664], sizes = [2048, 128], strides = [1, 1]} : vector<2048x2048xf32> to vector<2048x128xf32>
    %add3A_178 = arith.addf %add3A_176, %slice3A_177 : vector<2048x128xf32>
    %lt3A_179 = arith.cmpf olt, %add3A_178, %select_n3A_167 : vector<2048x128xf32>
    %select_n3A_180 = arith.select %lt3A_179, %add3A_178, %select_n3A_167 : vector<2048x128xi1>, vector<2048x128xf32>
    %add3A_181 = arith.constant 1664 : i32
    %add3A_182 = vector.broadcast %add3A_181 : i32 to vector<2048x128xi32>
    %add3A_183 = arith.addi %iota3A, %add3A_182 : vector<2048x128xi32>
    %select_n3A_184 = arith.select %lt3A_179, %add3A_183, %select_n3A_171 : vector<2048x128xi1>, vector<2048x128xi32>
    %slice3A_185 = vector.extract_strided_slice %reduce_sum3A_2 {offsets = [1792], sizes = [128], strides = [1]} : vector<2048xf32> to vector<128xf32>
    %broadcast_in_dim3A_186 = vector.shape_cast %slice3A_185 : vector<128xf32> to vector<1x128xf32>
    %add3A_187 = vector.broadcast %broadcast_in_dim3A : vector<2048x1xf32> to vector<2048x128xf32>
    %add3A_188 = vector.broadcast %broadcast_in_dim3A_186 : vector<1x128xf32> to vector<2048x128xf32>
    %add3A_189 = arith.addf %add3A_187, %add3A_188 : vector<2048x128xf32>
    %slice3A_190 = vector.extract_strided_slice %dot_general3A_12 {offsets = [0, 1792], sizes = [2048, 128], strides = [1, 1]} : vector<2048x2048xf32> to vector<2048x128xf32>
    %add3A_191 = arith.addf %add3A_189, %slice3A_190 : vector<2048x128xf32>
    %lt3A_192 = arith.cmpf olt, %add3A_191, %select_n3A_180 : vector<2048x128xf32>
    %select_n3A_193 = arith.select %lt3A_192, %add3A_191, %select_n3A_180 : vector<2048x128xi1>, vector<2048x128xf32>
    %add3A_194 = arith.constant 1792 : i32
    %add3A_195 = vector.broadcast %add3A_194 : i32 to vector<2048x128xi32>
    %add3A_196 = arith.addi %iota3A, %add3A_195 : vector<2048x128xi32>
    %select_n3A_197 = arith.select %lt3A_192, %add3A_196, %select_n3A_184 : vector<2048x128xi1>, vector<2048x128xi32>
    %slice3A_198 = vector.extract_strided_slice %reduce_sum3A_2 {offsets = [1920], sizes = [128], strides = [1]} : vector<2048xf32> to vector<128xf32>
    %broadcast_in_dim3A_199 = vector.shape_cast %slice3A_198 : vector<128xf32> to vector<1x128xf32>
    %add3A_200 = vector.broadcast %broadcast_in_dim3A : vector<2048x1xf32> to vector<2048x128xf32>
    %add3A_201 = vector.broadcast %broadcast_in_dim3A_199 : vector<1x128xf32> to vector<2048x128xf32>
    %add3A_202 = arith.addf %add3A_200, %add3A_201 : vector<2048x128xf32>
    %slice3A_203 = vector.extract_strided_slice %dot_general3A_12 {offsets = [0, 1920], sizes = [2048, 128], strides = [1, 1]} : vector<2048x2048xf32> to vector<2048x128xf32>
    %add3A_204 = arith.addf %add3A_202, %slice3A_203 : vector<2048x128xf32>
    %lt3A_205 = arith.cmpf olt, %add3A_204, %select_n3A_193 : vector<2048x128xf32>
    %select_n3A_206 = arith.select %lt3A_205, %add3A_204, %select_n3A_193 : vector<2048x128xi1>, vector<2048x128xf32>
    %add3A_207 = arith.constant 1920 : i32
    %add3A_208 = vector.broadcast %add3A_207 : i32 to vector<2048x128xi32>
    %add3A_209 = arith.addi %iota3A, %add3A_208 : vector<2048x128xi32>
    %select_n3A_210 = arith.select %lt3A_205, %add3A_209, %select_n3A_197 : vector<2048x128xi1>, vector<2048x128xi32>
    %reduce_min3A = arith.constant dense<0x7F800000> : vector<2048xf32>
    %reduce_min3A_211 = vector.multi_reduction <minimumf>, %select_n3A_206, %reduce_min3A [1] : vector<2048x128xf32> to vector<2048xf32>
    %broadcast_in_dim3A_212 = vector.shape_cast %reduce_min3A_211 : vector<2048xf32> to vector<2048x1xf32>
    %eq3A = vector.broadcast %broadcast_in_dim3A_212 : vector<2048x1xf32> to vector<2048x128xf32>
    %eq3A_213 = arith.cmpf oeq, %select_n3A_206, %eq3A : vector<2048x128xf32>
    %jit3A = arith.constant 1073741824 : i32
    %broadcast_in_dim3A_214 = vector.broadcast %jit3A : i32 to vector<2048x128xi32>
    %select_n3A_215 = arith.select %eq3A_213, %select_n3A_210, %broadcast_in_dim3A_214 : vector<2048x128xi1>, vector<2048x128xi32>
    %reduce_min3A_216 = arith.constant dense<2147483647> : vector<2048xi32>
    %reduce_min3A_217 = vector.multi_reduction <minsi>, %select_n3A_215, %reduce_min3A_216 [1] : vector<2048x128xi32> to vector<2048xi32>
    %mul3A_218 = arith.constant 2048 : i32
    %mul3A_219 = arith.muli %arg1, %mul3A_218 : i32
    %add3A_220 = vector.broadcast %mul3A_219 : i32 to vector<2048xi32>
    %add3A_221 = arith.addi %reduce_min3A_217, %add3A_220 : vector<2048xi32>
    %eq3A_222 = arith.constant 0 : i32
    %eq3A_223 = arith.cmpi eq, %arg1, %eq3A_222 : i32
    %convert_element_type3A = arith.extui %eq3A_223 : i1 to i32
    %cond3A = arith.constant 0 : i32
    %cond3A_224 = arith.cmpi ne, %convert_element_type3A, %cond3A : i32
    scf.if %cond3A_224 {
      %convert_element_type3A_234 = arith.truncf %reduce_min3A_211 : vector<2048xf32> to vector<2048xbf16>
      %convert_element_type3A_235 = arith.extf %convert_element_type3A_234 : vector<2048xbf16> to vector<2048xf32>
      %broadcast_in_dim3A_236 = vector.shape_cast %convert_element_type3A_235 : vector<2048xf32> to vector<2048x1xf32>
      %swap3A = arith.constant 0 : index
      %swap3A_237 = arith.constant 0 : index
      %swap3A_238 = vector.load %arg6[%swap3A, %swap3A_237] : memref<2048x1xf32, #tpu.memory_space<vmem>>, vector<2048x1xf32>
      tpu.vector_store %arg6[%swap3A, %swap3A_237], %broadcast_in_dim3A_236 {strides = array<i32>} : memref<2048x1xf32, #tpu.memory_space<vmem>>, vector<2048x1xf32>,
      %broadcast_in_dim3A_239 = vector.shape_cast %add3A_221 : vector<2048xi32> to vector<2048x1xi32>
      %swap3A_240 = arith.constant 0 : index
      %swap3A_241 = arith.constant 0 : index
      %swap3A_242 = vector.load %arg7[%swap3A_240, %swap3A_241] : memref<2048x1xi32, #tpu.memory_space<vmem>>, vector<2048x1xi32>
      tpu.vector_store %arg7[%swap3A_240, %swap3A_241], %broadcast_in_dim3A_239 {strides = array<i32>} : memref<2048x1xi32, #tpu.memory_space<vmem>>, vector<2048x1xi32>,
    } else {
    }
    %gt3A = arith.constant 0 : i32
    %gt3A_225 = arith.cmpi sgt, %arg1, %gt3A : i32
    %convert_element_type3A_226 = arith.extui %gt3A_225 : i1 to i32
    %cond3A_227 = arith.constant 0 : i32
    %cond3A_228 = arith.cmpi ne, %convert_element_type3A_226, %cond3A_227 : i32
    scf.if %cond3A_228 {
      %get3A_234 = arith.constant 0 : index
      %get3A_235 = arith.constant 0 : index
      %get3A_236 = vector.load %arg6[%get3A_234, %get3A_235] : memref<2048x1xf32, #tpu.memory_space<vmem>>, vector<2048x1xf32>
      %squeeze3A_237 = vector.shape_cast %get3A_236 : vector<2048x1xf32> to vector<2048xf32>
      %get3A_238 = arith.constant 0 : index
      %get3A_239 = arith.constant 0 : index
      %get3A_240 = vector.load %arg7[%get3A_238, %get3A_239] : memref<2048x1xi32, #tpu.memory_space<vmem>>, vector<2048x1xi32>
      %squeeze3A_241 = vector.shape_cast %get3A_240 : vector<2048x1xi32> to vector<2048xi32>
      %lt3A_242 = arith.cmpf olt, %reduce_min3A_211, %squeeze3A_237 : vector<2048xf32>
      %select_n3A_243 = arith.select %lt3A_242, %reduce_min3A_211, %squeeze3A_237 : vector<2048xi1>, vector<2048xf32>
      %convert_element_type3A_244 = arith.truncf %select_n3A_243 : vector<2048xf32> to vector<2048xbf16>
      %convert_element_type3A_245 = arith.extf %convert_element_type3A_244 : vector<2048xbf16> to vector<2048xf32>
      %broadcast_in_dim3A_246 = vector.shape_cast %convert_element_type3A_245 : vector<2048xf32> to vector<2048x1xf32>
      %swap3A = arith.constant 0 : index
      %swap3A_247 = arith.constant 0 : index
      %swap3A_248 = vector.load %arg6[%swap3A, %swap3A_247] : memref<2048x1xf32, #tpu.memory_space<vmem>>, vector<2048x1xf32>
      tpu.vector_store %arg6[%swap3A, %swap3A_247], %broadcast_in_dim3A_246 {strides = array<i32>} : memref<2048x1xf32, #tpu.memory_space<vmem>>, vector<2048x1xf32>,
      %select_n3A_249 = arith.select %lt3A_242, %add3A_221, %squeeze3A_241 : vector<2048xi1>, vector<2048xi32>
      %broadcast_in_dim3A_250 = vector.shape_cast %select_n3A_249 : vector<2048xi32> to vector<2048x1xi32>
      %swap3A_251 = arith.constant 0 : index
      %swap3A_252 = arith.constant 0 : index
      %swap3A_253 = vector.load %arg7[%swap3A_251, %swap3A_252] : memref<2048x1xi32, #tpu.memory_space<vmem>>, vector<2048x1xi32>
      tpu.vector_store %arg7[%swap3A_251, %swap3A_252], %broadcast_in_dim3A_250 {strides = array<i32>} : memref<2048x1xi32, #tpu.memory_space<vmem>>, vector<2048x1xi32>,
    } else {
    }
    %eq3A_229 = arith.constant 3 : i32
    %eq3A_230 = arith.cmpi eq, %arg1, %eq3A_229 : i32
    %convert_element_type3A_231 = arith.extui %eq3A_230 : i1 to i32
    %cond3A_232 = arith.constant 0 : i32
    %cond3A_233 = arith.cmpi ne, %convert_element_type3A_231, %cond3A_232 : i32
    scf.if %cond3A_233 {
      %get3A_234 = arith.constant 0 : index
      %get3A_235 = arith.constant 0 : index
      %get3A_236 = vector.load %arg7[%get3A_234, %get3A_235] : memref<2048x1xi32, #tpu.memory_space<vmem>>, vector<2048x1xi32>
      %squeeze3A_237 = vector.shape_cast %get3A_236 : vector<2048x1xi32> to vector<2048xi32>
      %broadcast_in_dim3A_238 = vector.shape_cast %squeeze3A_237 : vector<2048xi32> to vector<1x1x2048xi32>
      %swap3A = arith.constant 0 : index
      %swap3A_239 = arith.constant 0 : index
      %swap3A_240 = arith.constant 0 : index
      %swap3A_241 = vector.load %arg5[%swap3A, %swap3A_239, %swap3A_240] : memref<1x1x2048xi32, #tpu.memory_space<vmem>>, vector<1x1x2048xi32>
      tpu.vector_store %arg5[%swap3A, %swap3A_239, %swap3A_240], %broadcast_in_dim3A_238 {strides = array<i32>} : memref<1x1x2048xi32, #tpu.memory_space<vmem>>, vector<1x1x2048xi32>,
    } else {
    }
    return
  }
  func.func @transform_0(%arg0: i32, %arg1: i32) -> (i32, i32) {
    %c0_i32 = arith.constant 0 : i32
    %c0_i32_0 = arith.constant 0 : i32
    return %arg0, %c0_i32 : i32, i32
  }
  func.func @transform_1(%arg0: i32, %arg1: i32) -> (i32, i32) {
    %c0_i32 = arith.constant 0 : i32
    %c0_i32_0 = arith.constant 0 : i32
    return %arg0, %c0_i32 : i32, i32
  }
  func.func @transform_2(%arg0: i32, %arg1: i32) -> (i32, i32) {
    %c0_i32 = arith.constant 0 : i32
    %c0_i32_0 = arith.constant 0 : i32
    return %arg1, %c0_i32 : i32, i32
  }
  func.func @transform_3(%arg0: i32, %arg1: i32) -> (i32, i32, i32) {
    %c0_i32 = arith.constant 0 : i32
    %c0_i32_0 = arith.constant 0 : i32
    %c0_i32_1 = arith.constant 0 : i32
    return %arg0, %c0_i32, %c0_i32_0 : i32, i32, i32
  }
}

module attributes {stable_mosaic.version = 14 : i64} {
  func.func @_finalize_body(%arg0: memref<8192x256xf32, #tpu.memory_space<vmem>>, %arg1: memref<8192x256xf32, #tpu.memory_space<vmem>>, %arg2: memref<8192x256xf32, #tpu.memory_space<vmem>>, %arg3: memref<1x1xf32, #tpu.memory_space<smem>>) attributes {dimension_semantics = [], scalar_prefetch = 0 : i64, scratch_operands = 0 : i64, tpu.core_type = #tpu.core_type<tc>} {
    %get3A = arith.constant 0 : index
    %get3A_0 = arith.constant 0 : index
    %get3A_1 = vector.load %arg0[%get3A, %get3A_0] : memref<8192x256xf32, #tpu.memory_space<vmem>>, vector<8192x256xf32>
    %get3A_2 = arith.constant 0 : index
    %get3A_3 = arith.constant 0 : index
    %get3A_4 = vector.load %arg1[%get3A_2, %get3A_3] : memref<8192x256xf32, #tpu.memory_space<vmem>>, vector<8192x256xf32>
    %sub3A = arith.subf %get3A_4, %get3A_1 : vector<8192x256xf32>
    %add3A = arith.addf %get3A_1, %sub3A : vector<8192x256xf32>
    %swap3A = arith.constant 0 : index
    %swap3A_5 = arith.constant 0 : index
    %swap3A_6 = vector.load %arg2[%swap3A, %swap3A_5] : memref<8192x256xf32, #tpu.memory_space<vmem>>, vector<8192x256xf32>
    tpu.vector_store %arg2[%swap3A, %swap3A_5], %add3A {strides = array<i32>} : memref<8192x256xf32, #tpu.memory_space<vmem>>, vector<8192x256xf32>,
    %mul3A = arith.mulf %sub3A, %sub3A : vector<8192x256xf32>
    %reduce_sum3A = vector.shape_cast %mul3A : vector<8192x256xf32> to vector<1x8192x256xf32>
    %reduce_sum3A_7 = arith.constant dense<0.000000e+00> : vector<1xf32>
    %reduce_sum3A_8 = vector.multi_reduction <add>, %reduce_sum3A, %reduce_sum3A_7 [1, 2] : vector<1x8192x256xf32> to vector<1xf32>
    %reduce_sum3A_9 = vector.shape_cast %reduce_sum3A_8 : vector<1xf32> to vector<1x1x1xf32>
    %reduce_sum3A_10 = vector.extract %reduce_sum3A_9[0, 0, 0] : f32 from vector<1x1x1xf32>
    %swap3A_11 = arith.constant 0 : index
    %swap3A_12 = arith.constant 0 : index
    %swap3A_13 = memref.load %arg3[%swap3A_11, %swap3A_12] : memref<1x1xf32, #tpu.memory_space<smem>>
    memref.store %reduce_sum3A_10, %arg3[%swap3A_11, %swap3A_12] : memref<1x1xf32, #tpu.memory_space<smem>>
    return
  }
}

</mosaic_0001>

<sc_bundles>
// kernel: kernel.5.cloned.1.call-start
scs
__scs_entry_jumppad:
0x0: {  	(pc) =	sbr.rel $0x88, $3  }
0x1: {  	(tag) =	ssettag $0x0;
	lr =	simm.s32 $0x1  }
0x2: {  	[smem:$0x3F9F] =	sst lr;
	_ =	strace $0xD0000000  }
0x3: {  	_ = 	snop  }
0x4: {  	_ = 	snop  }
0x5: {  	_ = 	snop  }
0x6: {  	_ = 	snop  }
0x7: {  	_ = 	snop  }
__scs_overlays_trampoline_lowered:
0x8: {  	[smem:$0x3FAE] =	sst s0  }
0x9: {  	[smem:$0x3FAF] =	sst s1  }
0xa: {  	[smem:$0x3FB0] =	sst s2  }
0xb: {  	[smem:$0x3FB1] =	sst s3  }
0xc: {  	[smem:$0x3FB2] =	sst s4  }
0xd: {  	[smem:$0x3FB3] =	sst s5  }
0xe: {  	[smem:$0x3FB4] =	sst s6  }
0xf: {  	[smem:$0x3FB5] =	sst s7  }
0x10: {  	[smem:$0x3FB6] =	sst s8  }
0x11: {  	[smem:$0x3FB7] =	sst s9;
	s0 =	simm.s32 @!p0 $0x0  }
0x12: {  	s1 =	sld [smem:$0x3F9D];
	s0 =	simm.s32 @p0 $0x1  }
0x13: {  	[smem:$0x3FB8] =	sst s0;
	s0 =	simm.s32 @!p1 $0x0  }
0x14: {  	s2 =	sld [smem:$0x3F9C];
	s0 =	simm.s32 @p1 $0x1  }
0x15: {  	[smem:$0x3FB9] =	sst s0;
	s0 =	simm.s32 @!p2 $0x0  }
0x16: {  	s3 =	sld [smem:$0x3FDB];
	s0 =	simm.s32 @p2 $0x1  }
0x17: {  	s4 =	simm.s32 $0x1BF5;
	[smem:$0x3FBB] =	sst s0  }
0x18: {  	s0 =	sld [smem:$0x3F9E];
	_ =	swait.ge [sflag:s4], $0x0  }
0x19: {  	s7 =	sld [smem:$0x3F9F]  }
0x1a: {  	s8 =	sadd.s32 $0xFFFFE003, lr  }
0x1b: {  	s9 =	sadd.s32 $0xFFFFFEF7, lr;
	s5 =	simm.s32 $0xFFFFFFFF;
	p2 =	slt.u32 s8, $0xFFFFF086  }
0x1c: {  	p1 =	slt.u32 s9, $0xF7A;
	s5 =	simm.s32 @!p2 $0x0  }
0x1d: {  	s5 =	simm.s32 @p1 $0x1;
	p0 =	seq.s32 s7, s2  }
0x1e: {  	s7 =	smul.u32 @!p0 $0xF7A, s2;
	p2 =	seq.s32 @!p0 s5, $0x0  }
0x1f: {  	s9 =	smul.u32 $0xF7A, s1;
	s8 =	simm.s32 @!p0 $0x1BF5;
	p2 =	por !p2, p0  }
0x20: {  	[sflag:s8] =	ssyncset.s32 @!p0 $0xFFFFF086;
	s6 =	sadd.s32 @!p0 s3, s7;
	s7 =	simm.s32 @!p0 $0x108  }
0x21: {  	s3 =	sadd.s32 s3, s9;
	s6 =	sadd.s32 @!p0 $0x88, s6;
	s7 =	simm.s32 @p2 $0x1082  }
0x22: {  	[simem:s7], [sflag:s8] =	dma.local @!p0 [hbm:s6], $0xF7A  }
0x23: {  	s9 =	sor.u32 $0xD0000000, s2;
	s6 =	simm.s32 $0x108;
	_ =	swait.ge @!p0 [sflag:s8], $0x0  }
0x24: {  	s3 =	sadd.s32 $0x88, s3;
	s6 =	simm.s32 @!p1 $0x1082;
	[sflag:s4] =	ssyncset.s32 $0xFFFFF086  }
0x25: {  	[simem:s6], [sflag:s4] =	dma.local [hbm:s3], $0xF7A  }
0x26: {  	[smem:$0x3F9F] =	sst s1;
	(tag) =	ssettag s2;
	_ =	strace s9  }
0x27: {  	s1 =	sld [smem:$0x3FAF]  }
0x28: {  	s2 =	sld [smem:$0x3FB0]  }
0x29: {  	s4 =	sld [smem:$0x3FB2]  }
0x2a: {  	p0 =	seq.s32 s5, $0x0;
	s5 =	sld [smem:$0x3FB3]  }
0x2b: {  	s6 =	sld [smem:$0x3FB4]  }
0x2c: {  	s7 =	sld [smem:$0x3FB5]  }
0x2d: {  	s3 =	simm.s32 $0x108;
	s8 =	sld [smem:$0x3FB6]  }
0x2e: {  	s3 =	simm.s32 @!p0 $0x1082;
	s9 =	sld [smem:$0x3FB7]  }
0x2f: {  	lr =	sadd.s32 s0, s3;
	s0 =	sld [smem:$0x3FAE]  }
0x30: {  	s3 =	sld [smem:$0x3FB1]  }
0x31: {  	[smem:$0x3FBA] =	sst s10  }
0x32: {  	s10 =	sld [smem:$0x3FB8];
	_ =	sdelay $0x3  }
0x33: {  	p0 =	seq.s32 s10, $0x1;
	s10 =	sld [smem:$0x3FBA];
	_ =	sdelay $0x3  }
0x34: {  	[smem:$0x3FBA] =	sst s10  }
0x35: {  	s10 =	sld [smem:$0x3FB9];
	_ =	sdelay $0x3  }
0x36: {  	p1 =	seq.s32 s10, $0x1;
	s10 =	sld [smem:$0x3FBA];
	_ =	sdelay $0x3  }
0x37: {  	[smem:$0x3FBA] =	sst s10  }
0x38: {  	s10 =	sld [smem:$0x3FBB]  }
0x39: {  	_ = 	snop;
	(pc) =	sbr.ind lr, $3  }
0x3a: {  	_ = 	snop  }
0x3b: {  	_ = 	snop  }
0x3c: {  	p2 =	seq.s32 s10, $0x1;
	s10 =	sld [smem:$0x3FBA]  }
0x3d: {  	_ =	shalt  }
0x3e: {  	_ =	shalt  }
0x3f: {  	_ =	shalt  }
0x40: {  	_ =	shalt  }
0x41: {  	_ =	shalt  }
0x42: {  	_ =	shalt  }
0x43: {  	_ =	shalt  }
0x44: {  	_ =	shalt  }
0x45: {  	_ =	shalt  }
0x46: {  	_ =	shalt  }
0x47: {  	_ =	shalt  }
0x48: {  	_ =	shalt  }
0x49: {  	_ =	shalt  }
0x4a: {  	_ =	shalt  }
0x4b: {  	_ =	shalt  }
0x4c: {  	_ =	shalt  }
0x4d: {  	_ =	shalt  }
0x4e: {  	_ =	shalt  }
0x4f: {  	_ =	shalt  }
0x50: {  	_ =	shalt  }
0x51: {  	_ =	shalt  }
0x52: {  	_ =	shalt  }
0x53: {  	_ =	shalt  }
0x54: {  	_ =	shalt  }
0x55: {  	_ =	shalt  }
0x56: {  	_ =	shalt  }
0x57: {  	_ =	shalt  }
0x58: {  	_ =	shalt  }
0x59: {  	_ =	shalt  }
0x5a: {  	_ =	shalt  }
0x5b: {  	_ =	shalt  }
0x5c: {  	_ =	shalt  }
0x5d: {  	_ =	shalt  }
0x5e: {  	_ =	shalt  }
0x5f: {  	_ =	shalt  }
0x60: {  	_ =	shalt  }
0x61: {  	_ =	shalt  }
0x62: {  	_ =	shalt  }
0x63: {  	_ =	shalt  }
0x64: {  	_ =	shalt  }
0x65: {  	_ =	shalt  }
0x66: {  	_ =	shalt  }
0x67: {  	_ =	shalt  }
0x68: {  	_ =	shalt  }
0x69: {  	_ =	shalt  }
0x6a: {  	_ =	shalt  }
0x6b: {  	_ =	shalt  }
0x6c: {  	_ =	shalt  }
0x6d: {  	_ =	shalt  }
0x6e: {  	_ =	shalt  }
0x6f: {  	_ =	shalt  }
0x70: {  	_ =	shalt  }
0x71: {  	_ =	shalt  }
0x72: {  	_ =	shalt  }
0x73: {  	_ =	shalt  }
0x74: {  	_ =	shalt  }
0x75: {  	_ =	shalt  }
0x76: {  	_ =	shalt  }
0x77: {  	_ =	shalt  }
0x78: {  	_ =	shalt  }
0x79: {  	_ =	shalt  }
0x7a: {  	_ =	shalt  }
0x7b: {  	_ =	shalt  }
0x7c: {  	_ =	shalt  }
0x7d: {  	_ =	shalt  }
0x7e: {  	_ =	shalt  }
0x7f: {  	_ =	shalt  }
0x80: {  	_ =	shalt  }
0x81: {  	_ =	shalt  }
0x82: {  	_ =	shalt  }
0x83: {  	_ =	shalt  }
0x84: {  	_ =	shalt  }
0x85: {  	_ =	shalt  }
0x86: {  	_ =	shalt  }
0x87: {  	_ =	shalt  }
.Lfunc_end0:
.L_simem_size_0:
called_computation_lowered:
.L_overlay_start_0:
0x88: {  	s2 =	sld [smem:$0x3FD9]  }
0x89: {  	s3 =	sld [smem:$0x3FFE];
	_ =	sdelay $0x1  }
0x8a: {  	s1 =	srdreg.scid  }
0x8b: {  	s0 =	sand.u32 $0x1, s1  }
0x8c: {  	s15 =	sshll.u32 s0, $0xA;
	s2 =	sadd.s32 s3, s2  }
0x8d: {  	s2 =	sadd.s32 s2, s15  }
0x8e: {  	[smem:$0x3FC6] =	sst s2  }
0x8f: {  	_ = 	snop  }
0x90: {  	s2 =	sld [smem:$0x3FD0];
	_ =	sdelay $0x2  }
0x91: {  	s4 =	simm.s32 $0xA;
	s5 =	simm.s32 $0x10;
	s16 =	sld [smem:$0x3FC8]  }
0x92: {  	[smem:s5], [sflag:s4] =	dma.local [hbm:s2], $0x1  }
0x93: {  	_ =	swait.eq [sflag:s4], $0x1  }
0x94: {  	[sflag:s4] =	ssyncset.done $0x0  }
0x95: {  	s17 =	sld [smem:$0x10];
	[sflag:s4] =	ssyncadd.s32 $0xFFFFFFFF  }
0x96: {  	s18 =	sld [smem:$0x12];
	(tm) =	ssettm $0x1  }
0x97: {  	s19 =	sld [smem:$0x3FFB];
	_ =	sdelay $0x3  }
0x98: {  	_ =	strace s19  }
0x99: {  	s5 =	sld [smem:$0x3FFC];
	_ =	sdelay $0x3  }
0x9a: {  	_ =	strace s5  }
0x9b: {  	s5 =	sld [smem:$0x3FFD];
	_ =	sdelay $0x3  }
0x9c: {  	_ =	strace s5  }
0x9d: {  	_ =	strace $0x8FFFFFFF  }
0x9e: {  	s20 =	sld [smem:$0x3FDB];
	_ =	sdelay $0x1  }
0x9f: {  	s6 =	simm.s32 $_scs_section_size  }
0xa0: {  	s7 =	simm.s32 $_size__tile_overlayer_lowered;
	s8 =	simm.s32 $_tile_overlayer_lowered  }
0xa1: {  	s23 =	simm.s32 $0x1BFF;
	s22 =	sshll.u32 s8, $0x1;
	s5 =	sadd.s32 s6, s20  }
0xa2: {  	s9 =	simm.s32 $0x0;
	s21 =	sshll.u32 s7, $0x1;
	s7 =	sadd.s32 s22, s5  }
0xa3: {  	[timem:s9], [sflag:s23] =	dma.local [hbm:s7], s21  }
0xa4: {  	_ =	swait.ge [sflag:s23], s21  }
0xa5: {  	s6 =	ssub.s32 $0x0, s21;
	[sflag:s23] =	ssyncset.done $0x0  }
0xa6: {  	[sflag:s23] =	ssyncadd.s32 s6;
	_ =	sdelay $0x1  }
0xa7: {  	s24 =	simm.s32 $0x1B8B  }
0xa8: {  	_ =	swait.ge [sflag:s24], $0x1  }
0xa9: {  	[sflag:s24] =	ssyncset.done $0x0  }
0xaa: {  	s25 =	simm.s32 $0x1B8E;
	[sflag:s24] =	ssyncadd.s32 $0xFFFFFFFF  }
0xab: {  	s26 =	simm.s32 $execute0_lowered;
	[smem:$0x3FD2] =	sst s25  }
0xac: {  	s6 =	sshll.u32 s26, $0x1;
	_ =	strace $0x80000046;
	[dreg:$0x1] =	wrdreg $0xFFFFFFFF  }
0xad: {  	s28 =	simm.s32 $_size_execute0_lowered;
	s5 =	sadd.s32 s5, s6;
	[dreg:$0x0] =	wrdreg $0x0  }
0xae: {  	s6 =	sshll.u32 s28, $0x1;
	[dreg:$0x2] =	wrdreg s5  }
0xaf: {  	[dreg:$0x3] =	wrdreg s6  }
0xb0: {  	[dreg:$0x4] =	wrdreg $0xC0  }
0xb1: {  	_ =	task [dreg:s9], $0x5FFFF  }
0xb2: {  	[dreg:$0x1] =	wrdreg $0xFFFFFFFF  }
0xb3: {  	[dreg:$0x0] =	wrdreg $0x60  }
0xb4: {  	[dreg:$0x2] =	wrdreg s16  }
0xb5: {  	[dreg:$0x3] =	wrdreg s18  }
0xb6: {  	[dreg:$0x4] =	wrdreg s17  }
0xb7: {  	[dreg:$0x5] =	wrdreg $0x9  }
0xb8: {  	_ =	task.clear_ibuf [dreg:s9], $0x6FFFF;
	_ =	strace $0x90000046  }
0xb9: {  	s29 =	simm.s32 $0x9;
	_ =	strace $0x8000004F  }
0xba: {  	_ =	swait.ge [sflag:s29], $0x1  }
0xbb: {  	[sflag:s29] =	ssyncadd.s32 $0xFFFFFFFF  }
0xbc: {  	_ =	strace $0x9000004F  }
0xbd: {  	_ =	sfence  }
0xbe: {  	s30 =	sld [smem:$0x0];
	_ =	sdelay $0x2  }
0xbf: {  	s31 =	sshll.u32 s1, $0xD;
	s1 =	sshrl.u32 s1, $0x2  }
0xc0: {  	s3 =	sand.u32 $0x4000, s31;
	s1 =	sadd.s32 s1, s30  }
0xc1: {  	s0 =	sor.u32 s3, s0;
	s1 =	sshll.u32 s1, $0x11  }
0xc2: {  	s0 =	sor.u32 s1, s0  }
0xc3: {  	s0 =	sadd.s32 $0x8F2B, s0  }
0xc4: {  	[sflag:s0] =	ssyncadd.remote.s32 $0x1  }
0xc5: {  	_ =	sfence.sel $0xFFFF  }
0xc6: {  	[dreg:$0x0] =	wrdreg $0xFFFFFFFF;
	(pc) =	sbr.abs _section_cstart, $3  }
0xc7: {  	[dreg:$0x1] =	wrdreg $0xFFFFFFFF  }
0xc8: {  	_ =	task.clear_ibuf [dreg:s9], $0x2FFFF;
	_ =	strace $0x9FFFFFFF  }
0xc9: {  	(tm) =	ssettm $0x7FFFFFFF  }
tec
execute0_lowered:
.L_overlay_start_1:
0x0: {  	(tag) =	ssettag $0x1  }
0x1: {  	s1 =	rddreg [dreg:$0x0]  }
0x2: {  	s2 =	rddreg [dreg:$0x1]  }
0x3: {  	s3 =	rddreg [dreg:$0x2]  }
0x4: {  	s4 =	srdreg.scid;
	s0 =	rddreg [dreg:$0x3]  }
0x5: {  	s5 =	simm.s32 $0x0;
	s9 =	simm.s32 $0x5;
	s10 =	simm.s32 $0x4  }
.Ltmp0:
0x6: {  	s11 =	simm.s32 $0x0;
	s6 =	sand.u32 $0x1, s4;
	(pc) =	sbr.rel .LBB2_1-.Ltmp0, $4  }
0x7: {  	s4 =	stileid.u32;
	s7 =	ssub.s32 $0x2, s6;
	s6 =	sshll.u32 s6, $0x4  }
0x8: {  	v2 =	vlaneseq.u32;
	[smem:$0x7FF] =	sst s5;
	s8 =	sshrl.u32 s7, $0x1;
	s6 =	sor.u32 s4, s6  }
0x9: {  	vm0 =	vmmov $0xffff;
	v1 =	vshrl.u32 v2, $0x3;
	_ =	strace $0x80000047;
	s8 =	ssub.s32 s7, s8;
	s31 =	sshll.u32 s6, $0x5  }
0xa: {  	v0 =	vand.u32 $0x7, v2;
	v2 =	vor.u32 $0x8, v2;
	v1 =	vmul.u32 $0x8, v1;
	s6 =	sshll.u32 s6, $0x1;
	s7 =	sadd.s32 s2, s31;
	s8 =	smax.u32 s8, $0x1  }
.LBB2_4:
0xb: {  	s12 =	sand.u32 $0x1, s12  }
0xc: {  	_ =	strace $0x8000004D;
	s12 =	sadd.s32 $0x3, s12  }
0xd: {  	_ =	swait.ge [sflag:s12], $0x8000  }
0xe: {  	[sflag:s12] =	ssyncset.done $0x0  }
0xf: {  	s11 =	sadd.s32 $0x1, s11;
	[sflag:s12] =	ssyncadd.s32 $0xFFFF8000  }
0x10: {  	p0 =	sne.s32 s11, s8;
	_ =	strace $0x9000004D  }
.Ltmp1:
0x11: {  	_ =	strace $0x8000004E;
	(pc) =	sbr.rel @!p0 .LBB2_5-.Ltmp1, $4  }
0x12: {  	_ =	swait.ge [sflag:s10], $0x8000  }
0x13: {  	[sflag:s10] =	ssyncset.done $0x0  }
0x14: {  	[sflag:s10] =	ssyncadd.s32 $0xFFFF8000  }
0x15: {  	_ =	strace $0x9000004E  }
.LBB2_1:
0x16: {  	_ =	strace $0x80000048  }
0x17: {  	p0 =	por $0x1, $0x1;
	p2 =	por $0x0, $0x0;
	s13 =	simm.s32 $0x0  }
0x18: {  	s12 =	simm.s32 $0x0;
	s17 =	simm.s32 $0x0;
	s14 =	simm.s32 $0x0  }
0x19: {  	[tilespmem:s5], [sflag:$0x1] =	stream.linear.gather [hbm4b:s7+s5], $0x80, $0x200038;
	[tilespmem:$0x10100] =	vst v63  }
0x1a: {  	s15 =	simm.s32 $0x1;
	s16 =	simm.s32 $0x0;
	_ =	strace $0x90000048  }
.LBB2_2:
0x1b: {  	s18 =	smov.u32 s13;
	s13 =	sadd.s32 $0x1, s13  }
0x1c: {  	p1 =	seq.s32 s13, $0x2  }
0x1d: {  	s13 =	simm.s32 @p1 $0x0  }
0x1e: {  	p1 =	sne.s32 s18, s13  }
0x1f: {  	p1 =	por !p0, !p1  }
0x20: {  	p1 =	por !p1, !p1  }
0x21: {  	s19 =	sadd.s32 @p1 s6, s13  }
0x22: {  	s20 =	sand.u32 @p1 $0x1, s15;
	s19 =	sshll.u32 @p1 s19, $0x4  }
0x23: {  	_ =	strace @p1 $0x80000049;
	s22 =	simm.s32 @p1 $0x0;
	s19 =	sand.u32 @p1 $0x1FFFFFF0, s19  }
0x24: {  	s21 =	sshll.u32 @p1 s20, $0x7;
	s20 =	sadd.s32 @p1 $0x1, s20;
	s19 =	sadd.s32 @p1 s2, s19  }
0x25: {  	[tilespmem:s21], [sflag:s20] =	stream.linear.gather @p1 [hbm4b:s19+s22], $0x80, $0x200038;
	[tilespmem:$0x10100] =	vst v63  }
0x26: {  	s23 =	sand.u32 $0x1, s14;
	_ =	strace @p1 $0x90000049  }
0x27: {  	s19 =	sadd.s32 $0x1, s23;
	_ =	strace $0x8000004A  }
0x28: {  	_ =	swait.ge [sflag:s19], $0x80  }
0x29: {  	[sflag:s19] =	ssyncset.done $0x0  }
0x2a: {  	[sflag:s19] =	ssyncadd.s32 $0xFFFFFF80  }
0x2b: {  	s24 =	sshll.u32 s14, $0x7;
	_ =	strace $0x9000004A  }
0x2c: {  	s22 =	sand.u32 $0x80, s24;
	_ =	strace $0x8000004B  }
0x2d: {  	v3 =	vld [tilespmem:s22+$0x0];
	_ =	sdelay $0x4  }
0x2e: {  	v4 =	vshll.u32 v3, $0x1  }
0x2f: {  	v3 =	vand.u32 $0x7, v3;
	v4 =	vand.u32 $0xFFFFFFF0, v4  }
0x30: {  	v3 =	vor.u32 v3, v4  }
0x31: {  	v4 =	vperm.xlane v3, v0;
	_ =	sdelay $0x1  }
0x32: {  	v3 =	vperm.xlane v3, v2;
	v4 =	vadd.s32 v1, v4;
	_ =	sdelay $0x1  }
0x33: {  	s19 =	sand.u32 $0x1, s17;
	v3 =	vadd.s32 v1, v3  }
0x34: {  	s21 =	sshll.u32 s19, $0xF  }
0x35: {  	s20 =	sor.u32 $0x100, s21  }
0x36: {  	[tilespmem:s20], [sflag:$0x5] =	stream.indirect_vreg.gather [hbm4b:s1+s5], $0x80, v4, vm0, $0x2000b8;
	[tilespmem:$0x10100] =	vst v63  }
0x37: {  	s23 =	sor.u32 $0x900, s21  }
0x38: {  	[tilespmem:s23], [sflag:$0x5] =	stream.indirect_vreg.gather [hbm4b:s1+s5], $0x80, v3, vm0, $0x2000b8;
	[tilespmem:$0x10100] =	vst v63  }
0x39: {  	v3 =	vld [tilespmem:s22+$0x10];
	_ =	sdelay $0x4  }
0x3a: {  	v57 =	vshll.u32 v3, $0x1  }
0x3b: {  	v3 =	vand.u32 $0x7, v3;
	v4 =	vand.u32 $0xFFFFFFF0, v57  }
0x3c: {  	v3 =	vor.u32 v3, v4  }
0x3d: {  	v4 =	vperm.xlane v3, v0;
	_ =	sdelay $0x1  }
0x3e: {  	v3 =	vperm.xlane v3, v2;
	v4 =	vadd.s32 v1, v4;
	_ =	sdelay $0x1  }
0x3f: {  	v3 =	vadd.s32 v1, v3;
	_ =	sdelay $0x1  }
0x40: {  	s25 =	sor.u32 $0x1100, s21  }
0x41: {  	[tilespmem:s25], [sflag:$0x5] =	stream.indirect_vreg.gather [hbm4b:s1+s5], $0x80, v4, vm0, $0x2000b8;
	[tilespmem:$0x10100] =	vst v63  }
0x42: {  	s26 =	sor.u32 $0x1900, s21  }
0x43: {  	[tilespmem:s26], [sflag:$0x5] =	stream.indirect_vreg.gather [hbm4b:s1+s5], $0x80, v3, vm0, $0x2000b8;
	[tilespmem:$0x10100] =	vst v63  }
0x44: {  	v3 =	vld [tilespmem:s22+$0x20];
	_ =	sdelay $0x4  }
0x45: {  	v58 =	vshll.u32 v3, $0x1  }
0x46: {  	v3 =	vand.u32 $0x7, v3;
	v4 =	vand.u32 $0xFFFFFFF0, v58  }
0x47: {  	v3 =	vor.u32 v3, v4  }
0x48: {  	v4 =	vperm.xlane v3, v0;
	_ =	sdelay $0x1  }
0x49: {  	v3 =	vperm.xlane v3, v2;
	v4 =	vadd.s32 v1, v4;
	_ =	sdelay $0x1  }
0x4a: {  	v3 =	vadd.s32 v1, v3;
	_ =	sdelay $0x1  }
0x4b: {  	s28 =	sor.u32 $0x2100, s21  }
0x4c: {  	[tilespmem:s28], [sflag:$0x5] =	stream.indirect_vreg.gather [hbm4b:s1+s5], $0x80, v4, vm0, $0x2000b8;
	[tilespmem:$0x10100] =	vst v63  }
0x4d: {  	s29 =	sor.u32 $0x2900, s21  }
0x4e: {  	[tilespmem:s29], [sflag:$0x5] =	stream.indirect_vreg.gather [hbm4b:s1+s5], $0x80, v3, vm0, $0x2000b8;
	[tilespmem:$0x10100] =	vst v63  }
0x4f: {  	v3 =	vld [tilespmem:s22+$0x30];
	_ =	sdelay $0x4  }
0x50: {  	v59 =	vshll.u32 v3, $0x1  }
0x51: {  	v3 =	vand.u32 $0x7, v3;
	v4 =	vand.u32 $0xFFFFFFF0, v59  }
0x52: {  	v3 =	vor.u32 v3, v4  }
0x53: {  	v4 =	vperm.xlane v3, v0;
	_ =	sdelay $0x1  }
0x54: {  	v3 =	vperm.xlane v3, v2;
	v4 =	vadd.s32 v1, v4;
	_ =	sdelay $0x1  }
0x55: {  	v3 =	vadd.s32 v1, v3;
	_ =	sdelay $0x1  }
0x56: {  	s30 =	sor.u32 $0x3100, s21  }
0x57: {  	[tilespmem:s30], [sflag:$0x5] =	stream.indirect_vreg.gather [hbm4b:s1+s5], $0x80, v4, vm0, $0x2000b8;
	[tilespmem:$0x10100] =	vst v63  }
0x58: {  	s31 =	sor.u32 $0x3900, s21  }
0x59: {  	[tilespmem:s31], [sflag:$0x5] =	stream.indirect_vreg.gather [hbm4b:s1+s5], $0x80, v3, vm0, $0x2000b8;
	[tilespmem:$0x10100] =	vst v63  }
0x5a: {  	v3 =	vld [tilespmem:s22+$0x40];
	_ =	sdelay $0x4  }
0x5b: {  	v60 =	vshll.u32 v3, $0x1  }
0x5c: {  	v3 =	vand.u32 $0x7, v3;
	v4 =	vand.u32 $0xFFFFFFF0, v60  }
0x5d: {  	v3 =	vor.u32 v3, v4  }
0x5e: {  	v4 =	vperm.xlane v3, v0;
	_ =	sdelay $0x1  }
0x5f: {  	v3 =	vperm.xlane v3, v2;
	v4 =	vadd.s32 v1, v4;
	_ =	sdelay $0x1  }
0x60: {  	v3 =	vadd.s32 v1, v3;
	_ =	sdelay $0x1  }
0x61: {  	s24 =	sor.u32 $0x4100, s21  }
0x62: {  	[tilespmem:s24], [sflag:$0x5] =	stream.indirect_vreg.gather [hbm4b:s1+s5], $0x80, v4, vm0, $0x2000b8;
	[tilespmem:$0x10100] =	vst v63  }
0x63: {  	s25 =	sor.u32 $0x4900, s21  }
0x64: {  	[tilespmem:s25], [sflag:$0x5] =	stream.indirect_vreg.gather [hbm4b:s1+s5], $0x80, v3, vm0, $0x2000b8;
	[tilespmem:$0x10100] =	vst v63  }
0x65: {  	v3 =	vld [tilespmem:s22+$0x50];
	_ =	sdelay $0x4  }
0x66: {  	v61 =	vshll.u32 v3, $0x1  }
0x67: {  	v3 =	vand.u32 $0x7, v3;
	v4 =	vand.u32 $0xFFFFFFF0, v61  }
0x68: {  	v3 =	vor.u32 v3, v4  }
0x69: {  	v4 =	vperm.xlane v3, v0;
	_ =	sdelay $0x1  }
0x6a: {  	v3 =	vperm.xlane v3, v2;
	v4 =	vadd.s32 v1, v4;
	_ =	sdelay $0x1  }
0x6b: {  	v3 =	vadd.s32 v1, v3;
	_ =	sdelay $0x1  }
0x6c: {  	s26 =	sor.u32 $0x5100, s21  }
0x6d: {  	[tilespmem:s26], [sflag:$0x5] =	stream.indirect_vreg.gather [hbm4b:s1+s5], $0x80, v4, vm0, $0x2000b8;
	[tilespmem:$0x10100] =	vst v63  }
0x6e: {  	s28 =	sor.u32 $0x5900, s21  }
0x6f: {  	[tilespmem:s28], [sflag:$0x5] =	stream.indirect_vreg.gather [hbm4b:s1+s5], $0x80, v3, vm0, $0x2000b8;
	[tilespmem:$0x10100] =	vst v63  }
0x70: {  	v3 =	vld [tilespmem:s22+$0x60];
	_ =	sdelay $0x4  }
0x71: {  	v62 =	vshll.u32 v3, $0x1  }
0x72: {  	v3 =	vand.u32 $0x7, v3;
	v4 =	vand.u32 $0xFFFFFFF0, v62  }
0x73: {  	v3 =	vor.u32 v3, v4  }
0x74: {  	v4 =	vperm.xlane v3, v0;
	_ =	sdelay $0x1  }
0x75: {  	v3 =	vperm.xlane v3, v2;
	v4 =	vadd.s32 v1, v4;
	_ =	sdelay $0x1  }
0x76: {  	v3 =	vadd.s32 v1, v3;
	_ =	sdelay $0x1  }
0x77: {  	s29 =	sor.u32 $0x6100, s21  }
0x78: {  	[tilespmem:s29], [sflag:$0x5] =	stream.indirect_vreg.gather [hbm4b:s1+s5], $0x80, v4, vm0, $0x2000b8;
	[tilespmem:$0x10100] =	vst v63  }
0x79: {  	s30 =	sor.u32 $0x6900, s21  }
0x7a: {  	[tilespmem:s30], [sflag:$0x5] =	stream.indirect_vreg.gather [hbm4b:s1+s5], $0x80, v3, vm0, $0x2000b8;
	[tilespmem:$0x10100] =	vst v63  }
0x7b: {  	v3 =	vld [tilespmem:s22+$0x70];
	_ =	sdelay $0x4  }
0x7c: {  	v63 =	vshll.u32 v3, $0x1  }
0x7d: {  	v3 =	vand.u32 $0x7, v3;
	v4 =	vand.u32 $0xFFFFFFF0, v63  }
0x7e: {  	v3 =	vor.u32 v3, v4  }
0x7f: {  	v4 =	vperm.xlane v3, v0;
	_ =	sdelay $0x1  }
0x80: {  	v3 =	vperm.xlane v3, v2;
	v4 =	vadd.s32 v1, v4;
	_ =	sdelay $0x1  }
0x81: {  	v3 =	vadd.s32 v1, v3;
	_ =	sdelay $0x1  }
0x82: {  	p2 =	por !p2, !p2;
	p3 =	seq.s32 s18, s13;
	s31 =	sor.u32 $0x7100, s21  }
0x83: {  	[tilespmem:s31], [sflag:$0x5] =	stream.indirect_vreg.gather [hbm4b:s1+s5], $0x80, v4, vm0, $0x2000b8;
	[tilespmem:$0x10100] =	vst v63  }
0x84: {  	p2 =	por !p2, !p3;
	s21 =	sor.u32 $0x7900, s21  }
0x85: {  	[tilespmem:s21], [sflag:$0x5] =	stream.indirect_vreg.gather [hbm4b:s1+s5], $0x80, v3, vm0, $0x2000b8;
	[tilespmem:$0x10100] =	vst v63  }
0x86: {  	s18 =	sadd.s32 s6, s18;
	p2 =	por !p2, !p2;
	_ =	swait.ge [sflag:s9], $0x8000  }
0x87: {  	s18 =	sshll.u32 @!p2 s18, $0xC;
	p0 =	por p2, p0;
	[sflag:s9] =	ssyncset.done $0x0  }
.Ltmp2:
0x88: {  	s18 =	sand.u32 @!p2 $0x1FFFF000, s18;
	[sflag:s9] =	ssyncadd.s32 $0xFFFF8000;
	(pc) =	sbr.rel @!p0 .LBB2_4-.Ltmp2, $4  }
0x89: {  	s18 =	sadd.s32 @!p2 s3, s18;
	_ =	strace $0x9000004B  }
0x8a: {  	s19 =	sadd.s32 @!p2 $0x3, s19;
	s21 =	simm.s32 @!p2 $0x0;
	_ =	strace @!p2 $0x8000004C  }
0x8b: {  	[hbm4b:s18+s21] =	stream.linear.scatter @!p2 [tilespmem:s20], [sflag:s19], $0x8000, $0x200038;
	[tilespmem:$0x10100] =	vst v63  }
0x8c: {  	_ =	strace @!p2 $0x9000004C  }
.Ltmp3:
0x8d: {  	s18 =	simm.s32 $0x1;
	(pc) =	sbr.rel .LBB2_2-.Ltmp3, $4  }
0x8e: {  	s19 =	simm.s32 @!p2 $0x1;
	s12 =	sadd.s32 s16, s12;
	s18 =	simm.s32 @!p1 $0x0  }
0x8f: {  	s16 =	simm.s32 $0x1;
	s15 =	sadd.s32 s18, s15;
	s18 =	sadd.s32 @!p2 $0x1, s17  }
0x90: {  	p0 =	por $0x0, $0x0;
	s19 =	simm.s32 @p2 $0x0;
	s18 =	smov.u32 @p2 s17  }
0x91: {  	s14 =	sadd.s32 s14, s19;
	p2 =	por $0x1, $0x1;
	s17 =	smov.u32 s18  }
.LBB2_5:
0x92: {  	_ =	sfence.sel $0x180000  }
0x93: {  	[bflag:$0x0] =	sbarrier.arrive $0xFFFF  }
0x94: {  	p0 =	sne.s32 s4, $0x0;
	_ =	strace $0x90000047  }
0x95: {  	s0 =	sadd.s32 @!p0 $0x100000, s0;
	[bflag:$0x2] =	sbarrier.arrive $0xFFFF  }
0x96: {  	[sflag:s0] =	ssyncadd.tile.s32 @!p0 $0x1;
	_ =	shalt  }
.Lfunc_end2:
_tile_overlayer_lowered:
.L_overlay_start_2:
0x97: {  	(tag) =	ssettag $0x2  }
0x98: {  	s0 =	rddreg [dreg:$0x0];
	s2 =	stileid.u32  }
0x99: {  	s1 =	rddreg [dreg:$0x1];
	p0 =	sne.s32 s2, $0x0  }
0x9a: {  	s3 =	rddreg [dreg:$0x2];
	[bflag:$0x3] =	sbarrier.arrive $0xFFFF;
	s2 =	simm.s32 @!p0 $0x1C01  }
0x9b: {  	[timem:s3], [sflag:s2] =	dma.local @!p0 [hbm:s0], s1  }
0x9c: {  	s0 =	simm.s32 @!p0 $0x1  }
0x9d: {  	_ =	swait.ge @!p0 [sflag:s0], s1  }
0x9e: {  	s1 =	ssub.s32 @!p0 $0x0, s1;
	[sflag:s0] =	ssyncset.done @!p0 $0x0  }
0x9f: {  	[sflag:s0] =	ssyncadd.s32 @!p0 s1  }
0xa0: {  	[bflag:$0x3] =	sbarrier.arrive $0xFFFF  }
0xa1: {  	_ =	shalt  }

</sc_bundles>
